<compile_context>
chip_gen: v7x
topology: tpu7x:2x2x1
jax: 0.10.2.dev20260603
libtpu: 0.0.44.dev20260713+nightly
codegen_flags: <defaults>
</compile_context>

<pallas_src>
import functools

import jax
import jax.numpy as jnp
from jax import lax
from jax.experimental import pallas as pl
from jax.experimental.pallas import tpu as pltpu
from jax.experimental.pallas import tpu_sc as plsc

EMBED_DIM = 32
BATCH = 16384
CHUNK = 128


def _make_sc_kernel():
    info = plsc.get_sparse_core_info()
    nc, ns = info.num_cores, info.num_subcores
    nw = nc * ns
    b_per_w = BATCH // nw
    n_chunks = b_per_w // CHUNK
    groups = b_per_w // 16

    mesh = plsc.VectorSubcoreMesh(core_axis_name="c", subcore_axis_name="s")

    @functools.partial(
        pl.kernel,
        mesh=mesh,
        out_type=jax.ShapeDtypeStruct((BATCH,), jnp.float32),
        compiler_params=pltpu.CompilerParams(
            needs_layout_passes=False, use_tc_tiling_on_sc=False),
        scratch_types=[
            pltpu.VMEM((b_per_w,), jnp.int32),
            pltpu.VMEM((b_per_w,), jnp.int32),
            pltpu.VMEM((b_per_w, EMBED_DIM), jnp.float32),
            pltpu.VMEM((b_per_w, EMBED_DIM), jnp.float32),
            pltpu.VMEM((b_per_w,), jnp.float32),
            pltpu.VMEM((b_per_w,), jnp.float32),
            pltpu.VMEM((16,), jnp.float32),
            pltpu.VMEM((b_per_w,), jnp.float32),
            pltpu.SemaphoreType.DMA,
        ],
    )
    def k(uidx_hbm, iidx_hbm, uemb_hbm, iemb_hbm, ubias_hbm, ibias_hbm,
          gbias_hbm, out_hbm, uidx_v, iidx_v, urows_v, irows_v,
          ub_v, ib_v, gb_v, out_v, sem):
        wid = lax.axis_index("s") * nc + lax.axis_index("c")
        base = wid * b_per_w

        pltpu.sync_copy(uidx_hbm.at[pl.ds(base, b_per_w)], uidx_v)
        pltpu.sync_copy(iidx_hbm.at[pl.ds(base, b_per_w)], iidx_v)
        pltpu.sync_copy(gbias_hbm, gb_v)

        copies = []
        for j in range(n_chunks):
            sl = pl.ds(j * CHUNK, CHUNK)
            copies.append(pltpu.async_copy(
                uemb_hbm.at[uidx_v.at[sl]], urows_v.at[sl], sem))
            copies.append(pltpu.async_copy(
                iemb_hbm.at[iidx_v.at[sl]], irows_v.at[sl], sem))
            copies.append(pltpu.async_copy(
                ubias_hbm.at[uidx_v.at[sl]], ub_v.at[sl], sem))
            copies.append(pltpu.async_copy(
                ibias_hbm.at[iidx_v.at[sl]], ib_v.at[sl], sem))
        for c in copies:
            c.wait()

        lane = lax.iota(jnp.int32, 16)
        gb = gb_v[...]

        def body(g, carry):
            rowbase = g * 16
            rows = rowbase + lane
            acc = gb + ub_v[pl.ds(rowbase, 16)] + ib_v[pl.ds(rowbase, 16)]
            for d in range(EMBED_DIM):
                cols = jnp.full((16,), d, jnp.int32)
                u = plsc.load_gather(urows_v, [rows, cols])
                q = plsc.load_gather(irows_v, [rows, cols])
                acc = acc + u * q
            out_v[pl.ds(rowbase, 16)] = acc
            return carry

        lax.fori_loop(0, groups, body, 0)
        pltpu.sync_copy(out_v, out_hbm.at[pl.ds(base, b_per_w)])

    return k


def kernel(user_idx, item_idx, user_emb, item_emb, user_bias, item_bias,
           global_bias):
    num_users = user_emb.shape[0]
    num_items = item_emb.shape[0]
    k = _make_sc_kernel()
    uidx = user_idx.astype(jnp.int32)
    iidx = item_idx.astype(jnp.int32)
    ubias = user_bias.reshape(num_users)
    ibias = item_bias.reshape(num_items)
    gbias = jnp.broadcast_to(global_bias.astype(jnp.float32), (16,))
    return k(uidx, iidx, user_emb, item_emb, ubias, ibias, gbias)

# --- scband reference (transcript-rebuilt; emitter-appended) ---
"""Pipeline reference for scband-svdbaseline-32349693673728 (READ-ONLY COPY).

The authoritative reference and input builder live on the scoring server;
editing this copy changes nothing except your own understanding.
"""

import jax, jax.numpy as jnp
import numpy as np

NUM_USERS = 1000000
NUM_ITEMS = 1000000
EMBED_DIM = 32
BATCH = 16384

def setup_inputs(seed: int = 0) -> dict:
    key = jax.random.key(seed)
    k1, k2, k3, k4 = jax.random.split(key, 4)
    user_idx = jax.random.randint(k1, (BATCH,), 0, NUM_USERS, dtype=jnp.int64 if jax.config.jax_enable_x64 else jnp.int32)
    item_idx = jax.random.randint(k2, (BATCH,), 0, NUM_ITEMS, dtype=jnp.int64 if jax.config.jax_enable_x64 else jnp.int32)
    user_emb = jax.random.normal(k3, (NUM_USERS, EMBED_DIM), dtype=jnp.float32) * 0.01
    item_emb = jax.random.normal(k4, (NUM_ITEMS, EMBED_DIM), dtype=jnp.float32) * 0.01
    user_bias = jnp.zeros((NUM_USERS, 1), dtype=jnp.float32)
    item_bias = jnp.zeros((NUM_ITEMS, 1), dtype=jnp.float32)
    global_bias = jnp.zeros((1,), dtype=jnp.float32)
    return {
        "user_idx": user_idx,
        "item_idx": item_idx,
        "user_emb": user_emb,
        "item_emb": item_emb,
        "user_bias": user_bias,
        "item_bias": item_bias,
        "global_bias": global_bias,
    }

def reference(user_idx, item_idx, user_emb, item_emb, user_bias, item_bias, global_bias):
    pu = jnp.take(user_emb, user_idx, axis=0)
    qi = jnp.take(item_emb, item_idx, axis=0)
    bu = jnp.take(user_bias, user_idx, axis=0).squeeze(-1)
    bi = jnp.take(item_bias, item_idx, axis=0).squeeze(-1)
    interaction = (pu * qi).sum(axis=-1)
    return global_bias + bu + bi + interaction

if __name__ == "__main__":
    import jax
    _d = setup_inputs()
    print(jax.jit(kernel)(*tuple(_d.values())))

</pallas_src>

<mosaic_0001>
#map = affine_map<(d0, d1) -> (0)>
#map1 = affine_map<(d0, d1) -> (0, 0)>
module attributes {stable_mosaic.version = 14 : i64} {
  func.func @k(%arg0: i32, %arg1: i32, %arg2: memref<16384xi32, #tpu.memory_space<hbm>>, %arg3: memref<16384xi32, #tpu.memory_space<hbm>>, %arg4: memref<1000000x32xf32, #tpu.memory_space<hbm>>, %arg5: memref<1000000x32xf32, #tpu.memory_space<hbm>>, %arg6: memref<1000000xf32, #tpu.memory_space<hbm>>, %arg7: memref<1000000xf32, #tpu.memory_space<hbm>>, %arg8: memref<16xf32, #tpu.memory_space<hbm>>, %arg9: memref<16384xf32, #tpu.memory_space<hbm>>, %arg10: memref<512xi32, #tpu.memory_space<vmem>>, %arg11: memref<512xi32, #tpu.memory_space<vmem>>, %arg12: memref<512x32xf32, #tpu.memory_space<vmem>>, %arg13: memref<512x32xf32, #tpu.memory_space<vmem>>, %arg14: memref<512xf32, #tpu.memory_space<vmem>>, %arg15: memref<512xf32, #tpu.memory_space<vmem>>, %arg16: memref<16xf32, #tpu.memory_space<vmem>>, %arg17: memref<512xf32, #tpu.memory_space<vmem>>, %arg18: memref<!tpu.dma_semaphore, #tpu.memory_space<semaphore_mem>>) attributes {dimension_semantics = [#tpu.dimension_semantics<core_parallel>, #tpu.dimension_semantics<subcore_parallel>], iteration_bounds = array<i64: 2, 16>, scalar_prefetch = 0 : i64, scratch_operands = 9 : i64, tpu.core_type = #tpu.core_type<sc_vector_subcore>, window_params = [{transform_indices = #map}, {transform_indices = #map}, {transform_indices = #map1}, {transform_indices = #map1}, {transform_indices = #map}, {transform_indices = #map}, {transform_indices = #map}, {transform_indices = #map}]} {
    %mul3A = arith.constant 2 : i32
    %mul3A_0 = arith.muli %arg1, %mul3A : i32
    %add3A = arith.addi %mul3A_0, %arg0 : i32
    %mul3A_1 = arith.constant 512 : i32
    %mul3A_2 = arith.muli %add3A, %mul3A_1 : i32
    "tpu.region"() ({
      %run_scoped3A = tpu.sem_alloc : memref<!tpu.dma_semaphore, #tpu.memory_space<semaphore_mem>>
      %dma_start3A_231 = tpu.memref_slice %arg2[%mul3A_2] : memref<16384xi32, #tpu.memory_space<hbm>> -> memref<512xi32, #tpu.memory_space<hbm>>
      %dma_start3A_232 = tpu.memref_slice %arg2[%mul3A_2] : memref<16384xi32, #tpu.memory_space<hbm>> -> memref<512xi32, #tpu.memory_space<hbm>>
      tpu.enqueue_dma source(%dma_start3A_232 : memref<512xi32, #tpu.memory_space<hbm>>) target(%arg10 : memref<512xi32, #tpu.memory_space<vmem>>) target_semaphore(%run_scoped3A : memref<!tpu.dma_semaphore, #tpu.memory_space<semaphore_mem>>)
      %dma_wait3A_233 = tpu.memref_slice %arg2[%mul3A_2] : memref<16384xi32, #tpu.memory_space<hbm>> -> memref<512xi32, #tpu.memory_space<hbm>>
      %dma_wait3A_234 = tpu.memref_slice %arg2[%mul3A_2] : memref<16384xi32, #tpu.memory_space<hbm>> -> memref<512xi32, #tpu.memory_space<hbm>>
      tpu.wait_dma2 semaphore(%run_scoped3A : memref<!tpu.dma_semaphore, #tpu.memory_space<semaphore_mem>>) src(%dma_wait3A_234 : memref<512xi32, #tpu.memory_space<hbm>>) dst(%arg10 : memref<512xi32, #tpu.memory_space<vmem>>)
      tpu.yield
    }) : () -> ()
    "tpu.region"() ({
      %run_scoped3A = tpu.sem_alloc : memref<!tpu.dma_semaphore, #tpu.memory_space<semaphore_mem>>
      %dma_start3A_231 = tpu.memref_slice %arg3[%mul3A_2] : memref<16384xi32, #tpu.memory_space<hbm>> -> memref<512xi32, #tpu.memory_space<hbm>>
      %dma_start3A_232 = tpu.memref_slice %arg3[%mul3A_2] : memref<16384xi32, #tpu.memory_space<hbm>> -> memref<512xi32, #tpu.memory_space<hbm>>
      tpu.enqueue_dma source(%dma_start3A_232 : memref<512xi32, #tpu.memory_space<hbm>>) target(%arg11 : memref<512xi32, #tpu.memory_space<vmem>>) target_semaphore(%run_scoped3A : memref<!tpu.dma_semaphore, #tpu.memory_space<semaphore_mem>>)
      %dma_wait3A_233 = tpu.memref_slice %arg3[%mul3A_2] : memref<16384xi32, #tpu.memory_space<hbm>> -> memref<512xi32, #tpu.memory_space<hbm>>
      %dma_wait3A_234 = tpu.memref_slice %arg3[%mul3A_2] : memref<16384xi32, #tpu.memory_space<hbm>> -> memref<512xi32, #tpu.memory_space<hbm>>
      tpu.wait_dma2 semaphore(%run_scoped3A : memref<!tpu.dma_semaphore, #tpu.memory_space<semaphore_mem>>) src(%dma_wait3A_234 : memref<512xi32, #tpu.memory_space<hbm>>) dst(%arg11 : memref<512xi32, #tpu.memory_space<vmem>>)
      tpu.yield
    }) : () -> ()
    "tpu.region"() ({
      %run_scoped3A = tpu.sem_alloc : memref<!tpu.dma_semaphore, #tpu.memory_space<semaphore_mem>>
      tpu.enqueue_dma source(%arg8 : memref<16xf32, #tpu.memory_space<hbm>>) target(%arg16 : memref<16xf32, #tpu.memory_space<vmem>>) target_semaphore(%run_scoped3A : memref<!tpu.dma_semaphore, #tpu.memory_space<semaphore_mem>>)
      tpu.wait_dma2 semaphore(%run_scoped3A : memref<!tpu.dma_semaphore, #tpu.memory_space<semaphore_mem>>) src(%arg8 : memref<16xf32, #tpu.memory_space<hbm>>) dst(%arg16 : memref<16xf32, #tpu.memory_space<vmem>>)
      tpu.yield
    }) : () -> ()
    %dma_start3A = arith.constant 0 : i32
    %dma_start3A_3 = arith.constant 0 : i32
    %dma_start3A_4 = tpu.memref_slice %arg12[%dma_start3A, %dma_start3A_3] : memref<512x32xf32, #tpu.memory_space<vmem>> -> memref<128x32xf32, #tpu.memory_space<vmem>>
    %dma_start3A_5 = arith.constant 0 : i32
    %dma_start3A_6 = tpu.memref_slice %arg10[%dma_start3A_5] : memref<512xi32, #tpu.memory_space<vmem>> -> memref<128xi32, #tpu.memory_space<vmem>>
    %dma_start3A_7 = arith.constant 0 : i32
    %dma_start3A_8 = arith.constant 0 : i32
    %dma_start3A_9 = tpu.memref_slice %arg4[%dma_start3A_7, %dma_start3A_8] : memref<1000000x32xf32, #tpu.memory_space<hbm>> -> memref<1000000x32xf32, #tpu.memory_space<hbm>>
    tpu.enqueue_indirect_dma source(%dma_start3A_9 : memref<1000000x32xf32, #tpu.memory_space<hbm>>) target(%dma_start3A_4 : memref<128x32xf32, #tpu.memory_space<vmem>>) offsets(%dma_start3A_6 : memref<128xi32, #tpu.memory_space<vmem>>) semaphore(%arg18 : memref<!tpu.dma_semaphore, #tpu.memory_space<semaphore_mem>>)
    %dma_start3A_10 = arith.constant 0 : i32
    %dma_start3A_11 = arith.constant 0 : i32
    %dma_start3A_12 = tpu.memref_slice %arg13[%dma_start3A_10, %dma_start3A_11] : memref<512x32xf32, #tpu.memory_space<vmem>> -> memref<128x32xf32, #tpu.memory_space<vmem>>
    %dma_start3A_13 = arith.constant 0 : i32
    %dma_start3A_14 = tpu.memref_slice %arg11[%dma_start3A_13] : memref<512xi32, #tpu.memory_space<vmem>> -> memref<128xi32, #tpu.memory_space<vmem>>
    %dma_start3A_15 = arith.constant 0 : i32
    %dma_start3A_16 = arith.constant 0 : i32
    %dma_start3A_17 = tpu.memref_slice %arg5[%dma_start3A_15, %dma_start3A_16] : memref<1000000x32xf32, #tpu.memory_space<hbm>> -> memref<1000000x32xf32, #tpu.memory_space<hbm>>
    tpu.enqueue_indirect_dma source(%dma_start3A_17 : memref<1000000x32xf32, #tpu.memory_space<hbm>>) target(%dma_start3A_12 : memref<128x32xf32, #tpu.memory_space<vmem>>) offsets(%dma_start3A_14 : memref<128xi32, #tpu.memory_space<vmem>>) semaphore(%arg18 : memref<!tpu.dma_semaphore, #tpu.memory_space<semaphore_mem>>)
    %dma_start3A_18 = arith.constant 0 : i32
    %dma_start3A_19 = tpu.memref_slice %arg14[%dma_start3A_18] : memref<512xf32, #tpu.memory_space<vmem>> -> memref<128xf32, #tpu.memory_space<vmem>>
    %dma_start3A_20 = arith.constant 0 : i32
    %dma_start3A_21 = tpu.memref_slice %arg10[%dma_start3A_20] : memref<512xi32, #tpu.memory_space<vmem>> -> memref<128xi32, #tpu.memory_space<vmem>>
    %dma_start3A_22 = arith.constant 0 : i32
    %dma_start3A_23 = tpu.memref_slice %arg6[%dma_start3A_22] : memref<1000000xf32, #tpu.memory_space<hbm>> -> memref<1000000xf32, #tpu.memory_space<hbm>>
    tpu.enqueue_indirect_dma source(%dma_start3A_23 : memref<1000000xf32, #tpu.memory_space<hbm>>) target(%dma_start3A_19 : memref<128xf32, #tpu.memory_space<vmem>>) offsets(%dma_start3A_21 : memref<128xi32, #tpu.memory_space<vmem>>) semaphore(%arg18 : memref<!tpu.dma_semaphore, #tpu.memory_space<semaphore_mem>>)
    %dma_start3A_24 = arith.constant 0 : i32
    %dma_start3A_25 = tpu.memref_slice %arg15[%dma_start3A_24] : memref<512xf32, #tpu.memory_space<vmem>> -> memref<128xf32, #tpu.memory_space<vmem>>
    %dma_start3A_26 = arith.constant 0 : i32
    %dma_start3A_27 = tpu.memref_slice %arg11[%dma_start3A_26] : memref<512xi32, #tpu.memory_space<vmem>> -> memref<128xi32, #tpu.memory_space<vmem>>
    %dma_start3A_28 = arith.constant 0 : i32
    %dma_start3A_29 = tpu.memref_slice %arg7[%dma_start3A_28] : memref<1000000xf32, #tpu.memory_space<hbm>> -> memref<1000000xf32, #tpu.memory_space<hbm>>
    tpu.enqueue_indirect_dma source(%dma_start3A_29 : memref<1000000xf32, #tpu.memory_space<hbm>>) target(%dma_start3A_25 : memref<128xf32, #tpu.memory_space<vmem>>) offsets(%dma_start3A_27 : memref<128xi32, #tpu.memory_space<vmem>>) semaphore(%arg18 : memref<!tpu.dma_semaphore, #tpu.memory_space<semaphore_mem>>)
    %dma_start3A_30 = arith.constant 128 : i32
    %dma_start3A_31 = arith.constant 0 : i32
    %dma_start3A_32 = tpu.memref_slice %arg12[%dma_start3A_30, %dma_start3A_31] : memref<512x32xf32, #tpu.memory_space<vmem>> -> memref<128x32xf32, #tpu.memory_space<vmem>>
    %dma_start3A_33 = arith.constant 128 : i32
    %dma_start3A_34 = tpu.memref_slice %arg10[%dma_start3A_33] : memref<512xi32, #tpu.memory_space<vmem>> -> memref<128xi32, #tpu.memory_space<vmem>>
    %dma_start3A_35 = arith.constant 0 : i32
    %dma_start3A_36 = arith.constant 0 : i32
    %dma_start3A_37 = tpu.memref_slice %arg4[%dma_start3A_35, %dma_start3A_36] : memref<1000000x32xf32, #tpu.memory_space<hbm>> -> memref<1000000x32xf32, #tpu.memory_space<hbm>>
    tpu.enqueue_indirect_dma source(%dma_start3A_37 : memref<1000000x32xf32, #tpu.memory_space<hbm>>) target(%dma_start3A_32 : memref<128x32xf32, #tpu.memory_space<vmem>>) offsets(%dma_start3A_34 : memref<128xi32, #tpu.memory_space<vmem>>) semaphore(%arg18 : memref<!tpu.dma_semaphore, #tpu.memory_space<semaphore_mem>>)
    %dma_start3A_38 = arith.constant 128 : i32
    %dma_start3A_39 = arith.constant 0 : i32
    %dma_start3A_40 = tpu.memref_slice %arg13[%dma_start3A_38, %dma_start3A_39] : memref<512x32xf32, #tpu.memory_space<vmem>> -> memref<128x32xf32, #tpu.memory_space<vmem>>
    %dma_start3A_41 = arith.constant 128 : i32
    %dma_start3A_42 = tpu.memref_slice %arg11[%dma_start3A_41] : memref<512xi32, #tpu.memory_space<vmem>> -> memref<128xi32, #tpu.memory_space<vmem>>
    %dma_start3A_43 = arith.constant 0 : i32
    %dma_start3A_44 = arith.constant 0 : i32
    %dma_start3A_45 = tpu.memref_slice %arg5[%dma_start3A_43, %dma_start3A_44] : memref<1000000x32xf32, #tpu.memory_space<hbm>> -> memref<1000000x32xf32, #tpu.memory_space<hbm>>
    tpu.enqueue_indirect_dma source(%dma_start3A_45 : memref<1000000x32xf32, #tpu.memory_space<hbm>>) target(%dma_start3A_40 : memref<128x32xf32, #tpu.memory_space<vmem>>) offsets(%dma_start3A_42 : memref<128xi32, #tpu.memory_space<vmem>>) semaphore(%arg18 : memref<!tpu.dma_semaphore, #tpu.memory_space<semaphore_mem>>)
    %dma_start3A_46 = arith.constant 128 : i32
    %dma_start3A_47 = tpu.memref_slice %arg14[%dma_start3A_46] : memref<512xf32, #tpu.memory_space<vmem>> -> memref<128xf32, #tpu.memory_space<vmem>>
    %dma_start3A_48 = arith.constant 128 : i32
    %dma_start3A_49 = tpu.memref_slice %arg10[%dma_start3A_48] : memref<512xi32, #tpu.memory_space<vmem>> -> memref<128xi32, #tpu.memory_space<vmem>>
    %dma_start3A_50 = arith.constant 0 : i32
    %dma_start3A_51 = tpu.memref_slice %arg6[%dma_start3A_50] : memref<1000000xf32, #tpu.memory_space<hbm>> -> memref<1000000xf32, #tpu.memory_space<hbm>>
    tpu.enqueue_indirect_dma source(%dma_start3A_51 : memref<1000000xf32, #tpu.memory_space<hbm>>) target(%dma_start3A_47 : memref<128xf32, #tpu.memory_space<vmem>>) offsets(%dma_start3A_49 : memref<128xi32, #tpu.memory_space<vmem>>) semaphore(%arg18 : memref<!tpu.dma_semaphore, #tpu.memory_space<semaphore_mem>>)
    %dma_start3A_52 = arith.constant 128 : i32
    %dma_start3A_53 = tpu.memref_slice %arg15[%dma_start3A_52] : memref<512xf32, #tpu.memory_space<vmem>> -> memref<128xf32, #tpu.memory_space<vmem>>
    %dma_start3A_54 = arith.constant 128 : i32
    %dma_start3A_55 = tpu.memref_slice %arg11[%dma_start3A_54] : memref<512xi32, #tpu.memory_space<vmem>> -> memref<128xi32, #tpu.memory_space<vmem>>
    %dma_start3A_56 = arith.constant 0 : i32
    %dma_start3A_57 = tpu.memref_slice %arg7[%dma_start3A_56] : memref<1000000xf32, #tpu.memory_space<hbm>> -> memref<1000000xf32, #tpu.memory_space<hbm>>
    tpu.enqueue_indirect_dma source(%dma_start3A_57 : memref<1000000xf32, #tpu.memory_space<hbm>>) target(%dma_start3A_53 : memref<128xf32, #tpu.memory_space<vmem>>) offsets(%dma_start3A_55 : memref<128xi32, #tpu.memory_space<vmem>>) semaphore(%arg18 : memref<!tpu.dma_semaphore, #tpu.memory_space<semaphore_mem>>)
    %dma_start3A_58 = arith.constant 256 : i32
    %dma_start3A_59 = arith.constant 0 : i32
    %dma_start3A_60 = tpu.memref_slice %arg12[%dma_start3A_58, %dma_start3A_59] : memref<512x32xf32, #tpu.memory_space<vmem>> -> memref<128x32xf32, #tpu.memory_space<vmem>>
    %dma_start3A_61 = arith.constant 256 : i32
    %dma_start3A_62 = tpu.memref_slice %arg10[%dma_start3A_61] : memref<512xi32, #tpu.memory_space<vmem>> -> memref<128xi32, #tpu.memory_space<vmem>>
    %dma_start3A_63 = arith.constant 0 : i32
    %dma_start3A_64 = arith.constant 0 : i32
    %dma_start3A_65 = tpu.memref_slice %arg4[%dma_start3A_63, %dma_start3A_64] : memref<1000000x32xf32, #tpu.memory_space<hbm>> -> memref<1000000x32xf32, #tpu.memory_space<hbm>>
    tpu.enqueue_indirect_dma source(%dma_start3A_65 : memref<1000000x32xf32, #tpu.memory_space<hbm>>) target(%dma_start3A_60 : memref<128x32xf32, #tpu.memory_space<vmem>>) offsets(%dma_start3A_62 : memref<128xi32, #tpu.memory_space<vmem>>) semaphore(%arg18 : memref<!tpu.dma_semaphore, #tpu.memory_space<semaphore_mem>>)
    %dma_start3A_66 = arith.constant 256 : i32
    %dma_start3A_67 = arith.constant 0 : i32
    %dma_start3A_68 = tpu.memref_slice %arg13[%dma_start3A_66, %dma_start3A_67] : memref<512x32xf32, #tpu.memory_space<vmem>> -> memref<128x32xf32, #tpu.memory_space<vmem>>
    %dma_start3A_69 = arith.constant 256 : i32
    %dma_start3A_70 = tpu.memref_slice %arg11[%dma_start3A_69] : memref<512xi32, #tpu.memory_space<vmem>> -> memref<128xi32, #tpu.memory_space<vmem>>
    %dma_start3A_71 = arith.constant 0 : i32
    %dma_start3A_72 = arith.constant 0 : i32
    %dma_start3A_73 = tpu.memref_slice %arg5[%dma_start3A_71, %dma_start3A_72] : memref<1000000x32xf32, #tpu.memory_space<hbm>> -> memref<1000000x32xf32, #tpu.memory_space<hbm>>
    tpu.enqueue_indirect_dma source(%dma_start3A_73 : memref<1000000x32xf32, #tpu.memory_space<hbm>>) target(%dma_start3A_68 : memref<128x32xf32, #tpu.memory_space<vmem>>) offsets(%dma_start3A_70 : memref<128xi32, #tpu.memory_space<vmem>>) semaphore(%arg18 : memref<!tpu.dma_semaphore, #tpu.memory_space<semaphore_mem>>)
    %dma_start3A_74 = arith.constant 256 : i32
    %dma_start3A_75 = tpu.memref_slice %arg14[%dma_start3A_74] : memref<512xf32, #tpu.memory_space<vmem>> -> memref<128xf32, #tpu.memory_space<vmem>>
    %dma_start3A_76 = arith.constant 256 : i32
    %dma_start3A_77 = tpu.memref_slice %arg10[%dma_start3A_76] : memref<512xi32, #tpu.memory_space<vmem>> -> memref<128xi32, #tpu.memory_space<vmem>>
    %dma_start3A_78 = arith.constant 0 : i32
    %dma_start3A_79 = tpu.memref_slice %arg6[%dma_start3A_78] : memref<1000000xf32, #tpu.memory_space<hbm>> -> memref<1000000xf32, #tpu.memory_space<hbm>>
    tpu.enqueue_indirect_dma source(%dma_start3A_79 : memref<1000000xf32, #tpu.memory_space<hbm>>) target(%dma_start3A_75 : memref<128xf32, #tpu.memory_space<vmem>>) offsets(%dma_start3A_77 : memref<128xi32, #tpu.memory_space<vmem>>) semaphore(%arg18 : memref<!tpu.dma_semaphore, #tpu.memory_space<semaphore_mem>>)
    %dma_start3A_80 = arith.constant 256 : i32
    %dma_start3A_81 = tpu.memref_slice %arg15[%dma_start3A_80] : memref<512xf32, #tpu.memory_space<vmem>> -> memref<128xf32, #tpu.memory_space<vmem>>
    %dma_start3A_82 = arith.constant 256 : i32
    %dma_start3A_83 = tpu.memref_slice %arg11[%dma_start3A_82] : memref<512xi32, #tpu.memory_space<vmem>> -> memref<128xi32, #tpu.memory_space<vmem>>
    %dma_start3A_84 = arith.constant 0 : i32
    %dma_start3A_85 = tpu.memref_slice %arg7[%dma_start3A_84] : memref<1000000xf32, #tpu.memory_space<hbm>> -> memref<1000000xf32, #tpu.memory_space<hbm>>
    tpu.enqueue_indirect_dma source(%dma_start3A_85 : memref<1000000xf32, #tpu.memory_space<hbm>>) target(%dma_start3A_81 : memref<128xf32, #tpu.memory_space<vmem>>) offsets(%dma_start3A_83 : memref<128xi32, #tpu.memory_space<vmem>>) semaphore(%arg18 : memref<!tpu.dma_semaphore, #tpu.memory_space<semaphore_mem>>)
    %dma_start3A_86 = arith.constant 384 : i32
    %dma_start3A_87 = arith.constant 0 : i32
    %dma_start3A_88 = tpu.memref_slice %arg12[%dma_start3A_86, %dma_start3A_87] : memref<512x32xf32, #tpu.memory_space<vmem>> -> memref<128x32xf32, #tpu.memory_space<vmem>>
    %dma_start3A_89 = arith.constant 384 : i32
    %dma_start3A_90 = tpu.memref_slice %arg10[%dma_start3A_89] : memref<512xi32, #tpu.memory_space<vmem>> -> memref<128xi32, #tpu.memory_space<vmem>>
    %dma_start3A_91 = arith.constant 0 : i32
    %dma_start3A_92 = arith.constant 0 : i32
    %dma_start3A_93 = tpu.memref_slice %arg4[%dma_start3A_91, %dma_start3A_92] : memref<1000000x32xf32, #tpu.memory_space<hbm>> -> memref<1000000x32xf32, #tpu.memory_space<hbm>>
    tpu.enqueue_indirect_dma source(%dma_start3A_93 : memref<1000000x32xf32, #tpu.memory_space<hbm>>) target(%dma_start3A_88 : memref<128x32xf32, #tpu.memory_space<vmem>>) offsets(%dma_start3A_90 : memref<128xi32, #tpu.memory_space<vmem>>) semaphore(%arg18 : memref<!tpu.dma_semaphore, #tpu.memory_space<semaphore_mem>>)
    %dma_start3A_94 = arith.constant 384 : i32
    %dma_start3A_95 = arith.constant 0 : i32
    %dma_start3A_96 = tpu.memref_slice %arg13[%dma_start3A_94, %dma_start3A_95] : memref<512x32xf32, #tpu.memory_space<vmem>> -> memref<128x32xf32, #tpu.memory_space<vmem>>
    %dma_start3A_97 = arith.constant 384 : i32
    %dma_start3A_98 = tpu.memref_slice %arg11[%dma_start3A_97] : memref<512xi32, #tpu.memory_space<vmem>> -> memref<128xi32, #tpu.memory_space<vmem>>
    %dma_start3A_99 = arith.constant 0 : i32
    %dma_start3A_100 = arith.constant 0 : i32
    %dma_start3A_101 = tpu.memref_slice %arg5[%dma_start3A_99, %dma_start3A_100] : memref<1000000x32xf32, #tpu.memory_space<hbm>> -> memref<1000000x32xf32, #tpu.memory_space<hbm>>
    tpu.enqueue_indirect_dma source(%dma_start3A_101 : memref<1000000x32xf32, #tpu.memory_space<hbm>>) target(%dma_start3A_96 : memref<128x32xf32, #tpu.memory_space<vmem>>) offsets(%dma_start3A_98 : memref<128xi32, #tpu.memory_space<vmem>>) semaphore(%arg18 : memref<!tpu.dma_semaphore, #tpu.memory_space<semaphore_mem>>)
    %dma_start3A_102 = arith.constant 384 : i32
    %dma_start3A_103 = tpu.memref_slice %arg14[%dma_start3A_102] : memref<512xf32, #tpu.memory_space<vmem>> -> memref<128xf32, #tpu.memory_space<vmem>>
    %dma_start3A_104 = arith.constant 384 : i32
    %dma_start3A_105 = tpu.memref_slice %arg10[%dma_start3A_104] : memref<512xi32, #tpu.memory_space<vmem>> -> memref<128xi32, #tpu.memory_space<vmem>>
    %dma_start3A_106 = arith.constant 0 : i32
    %dma_start3A_107 = tpu.memref_slice %arg6[%dma_start3A_106] : memref<1000000xf32, #tpu.memory_space<hbm>> -> memref<1000000xf32, #tpu.memory_space<hbm>>
    tpu.enqueue_indirect_dma source(%dma_start3A_107 : memref<1000000xf32, #tpu.memory_space<hbm>>) target(%dma_start3A_103 : memref<128xf32, #tpu.memory_space<vmem>>) offsets(%dma_start3A_105 : memref<128xi32, #tpu.memory_space<vmem>>) semaphore(%arg18 : memref<!tpu.dma_semaphore, #tpu.memory_space<semaphore_mem>>)
    %dma_start3A_108 = arith.constant 384 : i32
    %dma_start3A_109 = tpu.memref_slice %arg15[%dma_start3A_108] : memref<512xf32, #tpu.memory_space<vmem>> -> memref<128xf32, #tpu.memory_space<vmem>>
    %dma_start3A_110 = arith.constant 384 : i32
    %dma_start3A_111 = tpu.memref_slice %arg11[%dma_start3A_110] : memref<512xi32, #tpu.memory_space<vmem>> -> memref<128xi32, #tpu.memory_space<vmem>>
    %dma_start3A_112 = arith.constant 0 : i32
    %dma_start3A_113 = tpu.memref_slice %arg7[%dma_start3A_112] : memref<1000000xf32, #tpu.memory_space<hbm>> -> memref<1000000xf32, #tpu.memory_space<hbm>>
    tpu.enqueue_indirect_dma source(%dma_start3A_113 : memref<1000000xf32, #tpu.memory_space<hbm>>) target(%dma_start3A_109 : memref<128xf32, #tpu.memory_space<vmem>>) offsets(%dma_start3A_111 : memref<128xi32, #tpu.memory_space<vmem>>) semaphore(%arg18 : memref<!tpu.dma_semaphore, #tpu.memory_space<semaphore_mem>>)
    %dma_wait3A = arith.constant 0 : i32
    %dma_wait3A_114 = arith.constant 0 : i32
    %dma_wait3A_115 = tpu.memref_slice %arg12[%dma_wait3A, %dma_wait3A_114] : memref<512x32xf32, #tpu.memory_space<vmem>> -> memref<128x32xf32, #tpu.memory_space<vmem>>
    %dma_wait3A_116 = arith.constant 0 : i32
    %dma_wait3A_117 = tpu.memref_slice %arg10[%dma_wait3A_116] : memref<512xi32, #tpu.memory_space<vmem>> -> memref<128xi32, #tpu.memory_space<vmem>>
    %dma_wait3A_118 = arith.constant 0 : i32
    %dma_wait3A_119 = arith.constant 0 : i32
    %dma_wait3A_120 = tpu.memref_slice %arg4[%dma_wait3A_118, %dma_wait3A_119] : memref<1000000x32xf32, #tpu.memory_space<hbm>> -> memref<1000000x32xf32, #tpu.memory_space<hbm>>
    tpu.wait_indirect_dma semaphore(%arg18 : memref<!tpu.dma_semaphore, #tpu.memory_space<semaphore_mem>>) src(%dma_wait3A_120 : memref<1000000x32xf32, #tpu.memory_space<hbm>>) dst(%dma_wait3A_115 : memref<128x32xf32, #tpu.memory_space<vmem>>)
    %dma_wait3A_121 = arith.constant 0 : i32
    %dma_wait3A_122 = arith.constant 0 : i32
    %dma_wait3A_123 = tpu.memref_slice %arg13[%dma_wait3A_121, %dma_wait3A_122] : memref<512x32xf32, #tpu.memory_space<vmem>> -> memref<128x32xf32, #tpu.memory_space<vmem>>
    %dma_wait3A_124 = arith.constant 0 : i32
    %dma_wait3A_125 = tpu.memref_slice %arg11[%dma_wait3A_124] : memref<512xi32, #tpu.memory_space<vmem>> -> memref<128xi32, #tpu.memory_space<vmem>>
    %dma_wait3A_126 = arith.constant 0 : i32
    %dma_wait3A_127 = arith.constant 0 : i32
    %dma_wait3A_128 = tpu.memref_slice %arg5[%dma_wait3A_126, %dma_wait3A_127] : memref<1000000x32xf32, #tpu.memory_space<hbm>> -> memref<1000000x32xf32, #tpu.memory_space<hbm>>
    tpu.wait_indirect_dma semaphore(%arg18 : memref<!tpu.dma_semaphore, #tpu.memory_space<semaphore_mem>>) src(%dma_wait3A_128 : memref<1000000x32xf32, #tpu.memory_space<hbm>>) dst(%dma_wait3A_123 : memref<128x32xf32, #tpu.memory_space<vmem>>)
    %dma_wait3A_129 = arith.constant 0 : i32
    %dma_wait3A_130 = tpu.memref_slice %arg14[%dma_wait3A_129] : memref<512xf32, #tpu.memory_space<vmem>> -> memref<128xf32, #tpu.memory_space<vmem>>
    %dma_wait3A_131 = arith.constant 0 : i32
    %dma_wait3A_132 = tpu.memref_slice %arg10[%dma_wait3A_131] : memref<512xi32, #tpu.memory_space<vmem>> -> memref<128xi32, #tpu.memory_space<vmem>>
    %dma_wait3A_133 = arith.constant 0 : i32
    %dma_wait3A_134 = tpu.memref_slice %arg6[%dma_wait3A_133] : memref<1000000xf32, #tpu.memory_space<hbm>> -> memref<1000000xf32, #tpu.memory_space<hbm>>
    tpu.wait_indirect_dma semaphore(%arg18 : memref<!tpu.dma_semaphore, #tpu.memory_space<semaphore_mem>>) src(%dma_wait3A_134 : memref<1000000xf32, #tpu.memory_space<hbm>>) dst(%dma_wait3A_130 : memref<128xf32, #tpu.memory_space<vmem>>)
    %dma_wait3A_135 = arith.constant 0 : i32
    %dma_wait3A_136 = tpu.memref_slice %arg15[%dma_wait3A_135] : memref<512xf32, #tpu.memory_space<vmem>> -> memref<128xf32, #tpu.memory_space<vmem>>
    %dma_wait3A_137 = arith.constant 0 : i32
    %dma_wait3A_138 = tpu.memref_slice %arg11[%dma_wait3A_137] : memref<512xi32, #tpu.memory_space<vmem>> -> memref<128xi32, #tpu.memory_space<vmem>>
    %dma_wait3A_139 = arith.constant 0 : i32
    %dma_wait3A_140 = tpu.memref_slice %arg7[%dma_wait3A_139] : memref<1000000xf32, #tpu.memory_space<hbm>> -> memref<1000000xf32, #tpu.memory_space<hbm>>
    tpu.wait_indirect_dma semaphore(%arg18 : memref<!tpu.dma_semaphore, #tpu.memory_space<semaphore_mem>>) src(%dma_wait3A_140 : memref<1000000xf32, #tpu.memory_space<hbm>>) dst(%dma_wait3A_136 : memref<128xf32, #tpu.memory_space<vmem>>)
    %dma_wait3A_141 = arith.constant 128 : i32
    %dma_wait3A_142 = arith.constant 0 : i32
    %dma_wait3A_143 = tpu.memref_slice %arg12[%dma_wait3A_141, %dma_wait3A_142] : memref<512x32xf32, #tpu.memory_space<vmem>> -> memref<128x32xf32, #tpu.memory_space<vmem>>
    %dma_wait3A_144 = arith.constant 128 : i32
    %dma_wait3A_145 = tpu.memref_slice %arg10[%dma_wait3A_144] : memref<512xi32, #tpu.memory_space<vmem>> -> memref<128xi32, #tpu.memory_space<vmem>>
    %dma_wait3A_146 = arith.constant 0 : i32
    %dma_wait3A_147 = arith.constant 0 : i32
    %dma_wait3A_148 = tpu.memref_slice %arg4[%dma_wait3A_146, %dma_wait3A_147] : memref<1000000x32xf32, #tpu.memory_space<hbm>> -> memref<1000000x32xf32, #tpu.memory_space<hbm>>
    tpu.wait_indirect_dma semaphore(%arg18 : memref<!tpu.dma_semaphore, #tpu.memory_space<semaphore_mem>>) src(%dma_wait3A_148 : memref<1000000x32xf32, #tpu.memory_space<hbm>>) dst(%dma_wait3A_143 : memref<128x32xf32, #tpu.memory_space<vmem>>)
    %dma_wait3A_149 = arith.constant 128 : i32
    %dma_wait3A_150 = arith.constant 0 : i32
    %dma_wait3A_151 = tpu.memref_slice %arg13[%dma_wait3A_149, %dma_wait3A_150] : memref<512x32xf32, #tpu.memory_space<vmem>> -> memref<128x32xf32, #tpu.memory_space<vmem>>
    %dma_wait3A_152 = arith.constant 128 : i32
    %dma_wait3A_153 = tpu.memref_slice %arg11[%dma_wait3A_152] : memref<512xi32, #tpu.memory_space<vmem>> -> memref<128xi32, #tpu.memory_space<vmem>>
    %dma_wait3A_154 = arith.constant 0 : i32
    %dma_wait3A_155 = arith.constant 0 : i32
    %dma_wait3A_156 = tpu.memref_slice %arg5[%dma_wait3A_154, %dma_wait3A_155] : memref<1000000x32xf32, #tpu.memory_space<hbm>> -> memref<1000000x32xf32, #tpu.memory_space<hbm>>
    tpu.wait_indirect_dma semaphore(%arg18 : memref<!tpu.dma_semaphore, #tpu.memory_space<semaphore_mem>>) src(%dma_wait3A_156 : memref<1000000x32xf32, #tpu.memory_space<hbm>>) dst(%dma_wait3A_151 : memref<128x32xf32, #tpu.memory_space<vmem>>)
    %dma_wait3A_157 = arith.constant 128 : i32
    %dma_wait3A_158 = tpu.memref_slice %arg14[%dma_wait3A_157] : memref<512xf32, #tpu.memory_space<vmem>> -> memref<128xf32, #tpu.memory_space<vmem>>
    %dma_wait3A_159 = arith.constant 128 : i32
    %dma_wait3A_160 = tpu.memref_slice %arg10[%dma_wait3A_159] : memref<512xi32, #tpu.memory_space<vmem>> -> memref<128xi32, #tpu.memory_space<vmem>>
    %dma_wait3A_161 = arith.constant 0 : i32
    %dma_wait3A_162 = tpu.memref_slice %arg6[%dma_wait3A_161] : memref<1000000xf32, #tpu.memory_space<hbm>> -> memref<1000000xf32, #tpu.memory_space<hbm>>
    tpu.wait_indirect_dma semaphore(%arg18 : memref<!tpu.dma_semaphore, #tpu.memory_space<semaphore_mem>>) src(%dma_wait3A_162 : memref<1000000xf32, #tpu.memory_space<hbm>>) dst(%dma_wait3A_158 : memref<128xf32, #tpu.memory_space<vmem>>)
    %dma_wait3A_163 = arith.constant 128 : i32
    %dma_wait3A_164 = tpu.memref_slice %arg15[%dma_wait3A_163] : memref<512xf32, #tpu.memory_space<vmem>> -> memref<128xf32, #tpu.memory_space<vmem>>
    %dma_wait3A_165 = arith.constant 128 : i32
    %dma_wait3A_166 = tpu.memref_slice %arg11[%dma_wait3A_165] : memref<512xi32, #tpu.memory_space<vmem>> -> memref<128xi32, #tpu.memory_space<vmem>>
    %dma_wait3A_167 = arith.constant 0 : i32
    %dma_wait3A_168 = tpu.memref_slice %arg7[%dma_wait3A_167] : memref<1000000xf32, #tpu.memory_space<hbm>> -> memref<1000000xf32, #tpu.memory_space<hbm>>
    tpu.wait_indirect_dma semaphore(%arg18 : memref<!tpu.dma_semaphore, #tpu.memory_space<semaphore_mem>>) src(%dma_wait3A_168 : memref<1000000xf32, #tpu.memory_space<hbm>>) dst(%dma_wait3A_164 : memref<128xf32, #tpu.memory_space<vmem>>)
    %dma_wait3A_169 = arith.constant 256 : i32
    %dma_wait3A_170 = arith.constant 0 : i32
    %dma_wait3A_171 = tpu.memref_slice %arg12[%dma_wait3A_169, %dma_wait3A_170] : memref<512x32xf32, #tpu.memory_space<vmem>> -> memref<128x32xf32, #tpu.memory_space<vmem>>
    %dma_wait3A_172 = arith.constant 256 : i32
    %dma_wait3A_173 = tpu.memref_slice %arg10[%dma_wait3A_172] : memref<512xi32, #tpu.memory_space<vmem>> -> memref<128xi32, #tpu.memory_space<vmem>>
    %dma_wait3A_174 = arith.constant 0 : i32
    %dma_wait3A_175 = arith.constant 0 : i32
    %dma_wait3A_176 = tpu.memref_slice %arg4[%dma_wait3A_174, %dma_wait3A_175] : memref<1000000x32xf32, #tpu.memory_space<hbm>> -> memref<1000000x32xf32, #tpu.memory_space<hbm>>
    tpu.wait_indirect_dma semaphore(%arg18 : memref<!tpu.dma_semaphore, #tpu.memory_space<semaphore_mem>>) src(%dma_wait3A_176 : memref<1000000x32xf32, #tpu.memory_space<hbm>>) dst(%dma_wait3A_171 : memref<128x32xf32, #tpu.memory_space<vmem>>)
    %dma_wait3A_177 = arith.constant 256 : i32
    %dma_wait3A_178 = arith.constant 0 : i32
    %dma_wait3A_179 = tpu.memref_slice %arg13[%dma_wait3A_177, %dma_wait3A_178] : memref<512x32xf32, #tpu.memory_space<vmem>> -> memref<128x32xf32, #tpu.memory_space<vmem>>
    %dma_wait3A_180 = arith.constant 256 : i32
    %dma_wait3A_181 = tpu.memref_slice %arg11[%dma_wait3A_180] : memref<512xi32, #tpu.memory_space<vmem>> -> memref<128xi32, #tpu.memory_space<vmem>>
    %dma_wait3A_182 = arith.constant 0 : i32
    %dma_wait3A_183 = arith.constant 0 : i32
    %dma_wait3A_184 = tpu.memref_slice %arg5[%dma_wait3A_182, %dma_wait3A_183] : memref<1000000x32xf32, #tpu.memory_space<hbm>> -> memref<1000000x32xf32, #tpu.memory_space<hbm>>
    tpu.wait_indirect_dma semaphore(%arg18 : memref<!tpu.dma_semaphore, #tpu.memory_space<semaphore_mem>>) src(%dma_wait3A_184 : memref<1000000x32xf32, #tpu.memory_space<hbm>>) dst(%dma_wait3A_179 : memref<128x32xf32, #tpu.memory_space<vmem>>)
    %dma_wait3A_185 = arith.constant 256 : i32
    %dma_wait3A_186 = tpu.memref_slice %arg14[%dma_wait3A_185] : memref<512xf32, #tpu.memory_space<vmem>> -> memref<128xf32, #tpu.memory_space<vmem>>
    %dma_wait3A_187 = arith.constant 256 : i32
    %dma_wait3A_188 = tpu.memref_slice %arg10[%dma_wait3A_187] : memref<512xi32, #tpu.memory_space<vmem>> -> memref<128xi32, #tpu.memory_space<vmem>>
    %dma_wait3A_189 = arith.constant 0 : i32
    %dma_wait3A_190 = tpu.memref_slice %arg6[%dma_wait3A_189] : memref<1000000xf32, #tpu.memory_space<hbm>> -> memref<1000000xf32, #tpu.memory_space<hbm>>
    tpu.wait_indirect_dma semaphore(%arg18 : memref<!tpu.dma_semaphore, #tpu.memory_space<semaphore_mem>>) src(%dma_wait3A_190 : memref<1000000xf32, #tpu.memory_space<hbm>>) dst(%dma_wait3A_186 : memref<128xf32, #tpu.memory_space<vmem>>)
    %dma_wait3A_191 = arith.constant 256 : i32
    %dma_wait3A_192 = tpu.memref_slice %arg15[%dma_wait3A_191] : memref<512xf32, #tpu.memory_space<vmem>> -> memref<128xf32, #tpu.memory_space<vmem>>
    %dma_wait3A_193 = arith.constant 256 : i32
    %dma_wait3A_194 = tpu.memref_slice %arg11[%dma_wait3A_193] : memref<512xi32, #tpu.memory_space<vmem>> -> memref<128xi32, #tpu.memory_space<vmem>>
    %dma_wait3A_195 = arith.constant 0 : i32
    %dma_wait3A_196 = tpu.memref_slice %arg7[%dma_wait3A_195] : memref<1000000xf32, #tpu.memory_space<hbm>> -> memref<1000000xf32, #tpu.memory_space<hbm>>
    tpu.wait_indirect_dma semaphore(%arg18 : memref<!tpu.dma_semaphore, #tpu.memory_space<semaphore_mem>>) src(%dma_wait3A_196 : memref<1000000xf32, #tpu.memory_space<hbm>>) dst(%dma_wait3A_192 : memref<128xf32, #tpu.memory_space<vmem>>)
    %dma_wait3A_197 = arith.constant 384 : i32
    %dma_wait3A_198 = arith.constant 0 : i32
    %dma_wait3A_199 = tpu.memref_slice %arg12[%dma_wait3A_197, %dma_wait3A_198] : memref<512x32xf32, #tpu.memory_space<vmem>> -> memref<128x32xf32, #tpu.memory_space<vmem>>
    %dma_wait3A_200 = arith.constant 384 : i32
    %dma_wait3A_201 = tpu.memref_slice %arg10[%dma_wait3A_200] : memref<512xi32, #tpu.memory_space<vmem>> -> memref<128xi32, #tpu.memory_space<vmem>>
    %dma_wait3A_202 = arith.constant 0 : i32
    %dma_wait3A_203 = arith.constant 0 : i32
    %dma_wait3A_204 = tpu.memref_slice %arg4[%dma_wait3A_202, %dma_wait3A_203] : memref<1000000x32xf32, #tpu.memory_space<hbm>> -> memref<1000000x32xf32, #tpu.memory_space<hbm>>
    tpu.wait_indirect_dma semaphore(%arg18 : memref<!tpu.dma_semaphore, #tpu.memory_space<semaphore_mem>>) src(%dma_wait3A_204 : memref<1000000x32xf32, #tpu.memory_space<hbm>>) dst(%dma_wait3A_199 : memref<128x32xf32, #tpu.memory_space<vmem>>)
    %dma_wait3A_205 = arith.constant 384 : i32
    %dma_wait3A_206 = arith.constant 0 : i32
    %dma_wait3A_207 = tpu.memref_slice %arg13[%dma_wait3A_205, %dma_wait3A_206] : memref<512x32xf32, #tpu.memory_space<vmem>> -> memref<128x32xf32, #tpu.memory_space<vmem>>
    %dma_wait3A_208 = arith.constant 384 : i32
    %dma_wait3A_209 = tpu.memref_slice %arg11[%dma_wait3A_208] : memref<512xi32, #tpu.memory_space<vmem>> -> memref<128xi32, #tpu.memory_space<vmem>>
    %dma_wait3A_210 = arith.constant 0 : i32
    %dma_wait3A_211 = arith.constant 0 : i32
    %dma_wait3A_212 = tpu.memref_slice %arg5[%dma_wait3A_210, %dma_wait3A_211] : memref<1000000x32xf32, #tpu.memory_space<hbm>> -> memref<1000000x32xf32, #tpu.memory_space<hbm>>
    tpu.wait_indirect_dma semaphore(%arg18 : memref<!tpu.dma_semaphore, #tpu.memory_space<semaphore_mem>>) src(%dma_wait3A_212 : memref<1000000x32xf32, #tpu.memory_space<hbm>>) dst(%dma_wait3A_207 : memref<128x32xf32, #tpu.memory_space<vmem>>)
    %dma_wait3A_213 = arith.constant 384 : i32
    %dma_wait3A_214 = tpu.memref_slice %arg14[%dma_wait3A_213] : memref<512xf32, #tpu.memory_space<vmem>> -> memref<128xf32, #tpu.memory_space<vmem>>
    %dma_wait3A_215 = arith.constant 384 : i32
    %dma_wait3A_216 = tpu.memref_slice %arg10[%dma_wait3A_215] : memref<512xi32, #tpu.memory_space<vmem>> -> memref<128xi32, #tpu.memory_space<vmem>>
    %dma_wait3A_217 = arith.constant 0 : i32
    %dma_wait3A_218 = tpu.memref_slice %arg6[%dma_wait3A_217] : memref<1000000xf32, #tpu.memory_space<hbm>> -> memref<1000000xf32, #tpu.memory_space<hbm>>
    tpu.wait_indirect_dma semaphore(%arg18 : memref<!tpu.dma_semaphore, #tpu.memory_space<semaphore_mem>>) src(%dma_wait3A_218 : memref<1000000xf32, #tpu.memory_space<hbm>>) dst(%dma_wait3A_214 : memref<128xf32, #tpu.memory_space<vmem>>)
    %dma_wait3A_219 = arith.constant 384 : i32
    %dma_wait3A_220 = tpu.memref_slice %arg15[%dma_wait3A_219] : memref<512xf32, #tpu.memory_space<vmem>> -> memref<128xf32, #tpu.memory_space<vmem>>
    %dma_wait3A_221 = arith.constant 384 : i32
    %dma_wait3A_222 = tpu.memref_slice %arg11[%dma_wait3A_221] : memref<512xi32, #tpu.memory_space<vmem>> -> memref<128xi32, #tpu.memory_space<vmem>>
    %dma_wait3A_223 = arith.constant 0 : i32
    %dma_wait3A_224 = tpu.memref_slice %arg7[%dma_wait3A_223] : memref<1000000xf32, #tpu.memory_space<hbm>> -> memref<1000000xf32, #tpu.memory_space<hbm>>
    tpu.wait_indirect_dma semaphore(%arg18 : memref<!tpu.dma_semaphore, #tpu.memory_space<semaphore_mem>>) src(%dma_wait3A_224 : memref<1000000xf32, #tpu.memory_space<hbm>>) dst(%dma_wait3A_220 : memref<128xf32, #tpu.memory_space<vmem>>)
    %iota3A = tpu.iota {dimensions = array<i32: 0>} : vector<16xi32>
    %get3A = arith.constant 0 : index
    %get3A_225 = tpu.vector_load %arg16[%get3A] {strides = array<i32>} : memref<16xf32, #tpu.memory_space<vmem>>, vector<16xf32>,
    %scan3A = arith.constant 0 : i32
    %scan3A_226 = arith.constant 0 : i32
    %scan3A_227 = arith.constant 32 : i32
    %scan3A_228 = arith.addi %scan3A_226, %scan3A_227 : i32
    %scan3A_229 = arith.constant 1 : i32
    scf.for %scan3A_231 = %scan3A_226 to %scan3A_228 step %scan3A_229  : i32 {
      %mul3A_232 = arith.constant 16 : i32
      %mul3A_233 = arith.muli %scan3A_231, %mul3A_232 : i32
      %add3A_234 = vector.broadcast %mul3A_233 : i32 to vector<16xi32>
      %add3A_235 = arith.addi %add3A_234, %iota3A : vector<16xi32>
      %get3A_236 = arith.index_cast %mul3A_233 : i32 to index
      %get3A_237 = tpu.vector_load %arg14[%get3A_236] {strides = array<i32>} : memref<512xf32, #tpu.memory_space<vmem>>, vector<16xf32>,
      %add3A_238 = arith.addf %get3A_225, %get3A_237 : vector<16xf32>
      %get3A_239 = arith.index_cast %mul3A_233 : i32 to index
      %get3A_240 = tpu.vector_load %arg15[%get3A_239] {strides = array<i32>} : memref<512xf32, #tpu.memory_space<vmem>>, vector<16xf32>,
      %add3A_241 = arith.addf %add3A_238, %get3A_240 : vector<16xf32>
      %broadcast_in_dim3A = arith.constant 0 : i32
      %broadcast_in_dim3A_242 = vector.broadcast %broadcast_in_dim3A : i32 to vector<16xi32>
      %gather3A = tpu.vector_load_idx %arg12[%add3A_235, %broadcast_in_dim3A_242] : memref<512x32xf32, #tpu.memory_space<vmem>>[vector<16xi32>, vector<16xi32>], vector<16xf32>,
      %gather3A_243 = tpu.vector_load_idx %arg13[%add3A_235, %broadcast_in_dim3A_242] : memref<512x32xf32, #tpu.memory_space<vmem>>[vector<16xi32>, vector<16xi32>], vector<16xf32>,
      %mul3A_244 = arith.mulf %gather3A, %gather3A_243 : vector<16xf32>
      %add3A_245 = arith.addf %add3A_241, %mul3A_244 : vector<16xf32>
      %broadcast_in_dim3A_246 = arith.constant 1 : i32
      %broadcast_in_dim3A_247 = vector.broadcast %broadcast_in_dim3A_246 : i32 to vector<16xi32>
      %gather3A_248 = tpu.vector_load_idx %arg12[%add3A_235, %broadcast_in_dim3A_247] : memref<512x32xf32, #tpu.memory_space<vmem>>[vector<16xi32>, vector<16xi32>], vector<16xf32>,
      %gather3A_249 = tpu.vector_load_idx %arg13[%add3A_235, %broadcast_in_dim3A_247] : memref<512x32xf32, #tpu.memory_space<vmem>>[vector<16xi32>, vector<16xi32>], vector<16xf32>,
      %mul3A_250 = arith.mulf %gather3A_248, %gather3A_249 : vector<16xf32>
      %add3A_251 = arith.addf %add3A_245, %mul3A_250 : vector<16xf32>
      %broadcast_in_dim3A_252 = arith.constant 2 : i32
      %broadcast_in_dim3A_253 = vector.broadcast %broadcast_in_dim3A_252 : i32 to vector<16xi32>
      %gather3A_254 = tpu.vector_load_idx %arg12[%add3A_235, %broadcast_in_dim3A_253] : memref<512x32xf32, #tpu.memory_space<vmem>>[vector<16xi32>, vector<16xi32>], vector<16xf32>,
      %gather3A_255 = tpu.vector_load_idx %arg13[%add3A_235, %broadcast_in_dim3A_253] : memref<512x32xf32, #tpu.memory_space<vmem>>[vector<16xi32>, vector<16xi32>], vector<16xf32>,
      %mul3A_256 = arith.mulf %gather3A_254, %gather3A_255 : vector<16xf32>
      %add3A_257 = arith.addf %add3A_251, %mul3A_256 : vector<16xf32>
      %broadcast_in_dim3A_258 = arith.constant 3 : i32
      %broadcast_in_dim3A_259 = vector.broadcast %broadcast_in_dim3A_258 : i32 to vector<16xi32>
      %gather3A_260 = tpu.vector_load_idx %arg12[%add3A_235, %broadcast_in_dim3A_259] : memref<512x32xf32, #tpu.memory_space<vmem>>[vector<16xi32>, vector<16xi32>], vector<16xf32>,
      %gather3A_261 = tpu.vector_load_idx %arg13[%add3A_235, %broadcast_in_dim3A_259] : memref<512x32xf32, #tpu.memory_space<vmem>>[vector<16xi32>, vector<16xi32>], vector<16xf32>,
      %mul3A_262 = arith.mulf %gather3A_260, %gather3A_261 : vector<16xf32>
      %add3A_263 = arith.addf %add3A_257, %mul3A_262 : vector<16xf32>
      %broadcast_in_dim3A_264 = arith.constant 4 : i32
      %broadcast_in_dim3A_265 = vector.broadcast %broadcast_in_dim3A_264 : i32 to vector<16xi32>
      %gather3A_266 = tpu.vector_load_idx %arg12[%add3A_235, %broadcast_in_dim3A_265] : memref<512x32xf32, #tpu.memory_space<vmem>>[vector<16xi32>, vector<16xi32>], vector<16xf32>,
      %gather3A_267 = tpu.vector_load_idx %arg13[%add3A_235, %broadcast_in_dim3A_265] : memref<512x32xf32, #tpu.memory_space<vmem>>[vector<16xi32>, vector<16xi32>], vector<16xf32>,
      %mul3A_268 = arith.mulf %gather3A_266, %gather3A_267 : vector<16xf32>
      %add3A_269 = arith.addf %add3A_263, %mul3A_268 : vector<16xf32>
      %broadcast_in_dim3A_270 = arith.constant 5 : i32
      %broadcast_in_dim3A_271 = vector.broadcast %broadcast_in_dim3A_270 : i32 to vector<16xi32>
      %gather3A_272 = tpu.vector_load_idx %arg12[%add3A_235, %broadcast_in_dim3A_271] : memref<512x32xf32, #tpu.memory_space<vmem>>[vector<16xi32>, vector<16xi32>], vector<16xf32>,
      %gather3A_273 = tpu.vector_load_idx %arg13[%add3A_235, %broadcast_in_dim3A_271] : memref<512x32xf32, #tpu.memory_space<vmem>>[vector<16xi32>, vector<16xi32>], vector<16xf32>,
      %mul3A_274 = arith.mulf %gather3A_272, %gather3A_273 : vector<16xf32>
      %add3A_275 = arith.addf %add3A_269, %mul3A_274 : vector<16xf32>
      %broadcast_in_dim3A_276 = arith.constant 6 : i32
      %broadcast_in_dim3A_277 = vector.broadcast %broadcast_in_dim3A_276 : i32 to vector<16xi32>
      %gather3A_278 = tpu.vector_load_idx %arg12[%add3A_235, %broadcast_in_dim3A_277] : memref<512x32xf32, #tpu.memory_space<vmem>>[vector<16xi32>, vector<16xi32>], vector<16xf32>,
      %gather3A_279 = tpu.vector_load_idx %arg13[%add3A_235, %broadcast_in_dim3A_277] : memref<512x32xf32, #tpu.memory_space<vmem>>[vector<16xi32>, vector<16xi32>], vector<16xf32>,
      %mul3A_280 = arith.mulf %gather3A_278, %gather3A_279 : vector<16xf32>
      %add3A_281 = arith.addf %add3A_275, %mul3A_280 : vector<16xf32>
      %broadcast_in_dim3A_282 = arith.constant 7 : i32
      %broadcast_in_dim3A_283 = vector.broadcast %broadcast_in_dim3A_282 : i32 to vector<16xi32>
      %gather3A_284 = tpu.vector_load_idx %arg12[%add3A_235, %broadcast_in_dim3A_283] : memref<512x32xf32, #tpu.memory_space<vmem>>[vector<16xi32>, vector<16xi32>], vector<16xf32>,
      %gather3A_285 = tpu.vector_load_idx %arg13[%add3A_235, %broadcast_in_dim3A_283] : memref<512x32xf32, #tpu.memory_space<vmem>>[vector<16xi32>, vector<16xi32>], vector<16xf32>,
      %mul3A_286 = arith.mulf %gather3A_284, %gather3A_285 : vector<16xf32>
      %add3A_287 = arith.addf %add3A_281, %mul3A_286 : vector<16xf32>
      %broadcast_in_dim3A_288 = arith.constant 8 : i32
      %broadcast_in_dim3A_289 = vector.broadcast %broadcast_in_dim3A_288 : i32 to vector<16xi32>
      %gather3A_290 = tpu.vector_load_idx %arg12[%add3A_235, %broadcast_in_dim3A_289] : memref<512x32xf32, #tpu.memory_space<vmem>>[vector<16xi32>, vector<16xi32>], vector<16xf32>,
      %gather3A_291 = tpu.vector_load_idx %arg13[%add3A_235, %broadcast_in_dim3A_289] : memref<512x32xf32, #tpu.memory_space<vmem>>[vector<16xi32>, vector<16xi32>], vector<16xf32>,
      %mul3A_292 = arith.mulf %gather3A_290, %gather3A_291 : vector<16xf32>
      %add3A_293 = arith.addf %add3A_287, %mul3A_292 : vector<16xf32>
      %broadcast_in_dim3A_294 = arith.constant 9 : i32
      %broadcast_in_dim3A_295 = vector.broadcast %broadcast_in_dim3A_294 : i32 to vector<16xi32>
      %gather3A_296 = tpu.vector_load_idx %arg12[%add3A_235, %broadcast_in_dim3A_295] : memref<512x32xf32, #tpu.memory_space<vmem>>[vector<16xi32>, vector<16xi32>], vector<16xf32>,
      %gather3A_297 = tpu.vector_load_idx %arg13[%add3A_235, %broadcast_in_dim3A_295] : memref<512x32xf32, #tpu.memory_space<vmem>>[vector<16xi32>, vector<16xi32>], vector<16xf32>,
      %mul3A_298 = arith.mulf %gather3A_296, %gather3A_297 : vector<16xf32>
      %add3A_299 = arith.addf %add3A_293, %mul3A_298 : vector<16xf32>
      %broadcast_in_dim3A_300 = arith.constant 10 : i32
      %broadcast_in_dim3A_301 = vector.broadcast %broadcast_in_dim3A_300 : i32 to vector<16xi32>
      %gather3A_302 = tpu.vector_load_idx %arg12[%add3A_235, %broadcast_in_dim3A_301] : memref<512x32xf32, #tpu.memory_space<vmem>>[vector<16xi32>, vector<16xi32>], vector<16xf32>,
      %gather3A_303 = tpu.vector_load_idx %arg13[%add3A_235, %broadcast_in_dim3A_301] : memref<512x32xf32, #tpu.memory_space<vmem>>[vector<16xi32>, vector<16xi32>], vector<16xf32>,
      %mul3A_304 = arith.mulf %gather3A_302, %gather3A_303 : vector<16xf32>
      %add3A_305 = arith.addf %add3A_299, %mul3A_304 : vector<16xf32>
      %broadcast_in_dim3A_306 = arith.constant 11 : i32
      %broadcast_in_dim3A_307 = vector.broadcast %broadcast_in_dim3A_306 : i32 to vector<16xi32>
      %gather3A_308 = tpu.vector_load_idx %arg12[%add3A_235, %broadcast_in_dim3A_307] : memref<512x32xf32, #tpu.memory_space<vmem>>[vector<16xi32>, vector<16xi32>], vector<16xf32>,
      %gather3A_309 = tpu.vector_load_idx %arg13[%add3A_235, %broadcast_in_dim3A_307] : memref<512x32xf32, #tpu.memory_space<vmem>>[vector<16xi32>, vector<16xi32>], vector<16xf32>,
      %mul3A_310 = arith.mulf %gather3A_308, %gather3A_309 : vector<16xf32>
      %add3A_311 = arith.addf %add3A_305, %mul3A_310 : vector<16xf32>
      %broadcast_in_dim3A_312 = arith.constant 12 : i32
      %broadcast_in_dim3A_313 = vector.broadcast %broadcast_in_dim3A_312 : i32 to vector<16xi32>
      %gather3A_314 = tpu.vector_load_idx %arg12[%add3A_235, %broadcast_in_dim3A_313] : memref<512x32xf32, #tpu.memory_space<vmem>>[vector<16xi32>, vector<16xi32>], vector<16xf32>,
      %gather3A_315 = tpu.vector_load_idx %arg13[%add3A_235, %broadcast_in_dim3A_313] : memref<512x32xf32, #tpu.memory_space<vmem>>[vector<16xi32>, vector<16xi32>], vector<16xf32>,
      %mul3A_316 = arith.mulf %gather3A_314, %gather3A_315 : vector<16xf32>
      %add3A_317 = arith.addf %add3A_311, %mul3A_316 : vector<16xf32>
      %broadcast_in_dim3A_318 = arith.constant 13 : i32
      %broadcast_in_dim3A_319 = vector.broadcast %broadcast_in_dim3A_318 : i32 to vector<16xi32>
      %gather3A_320 = tpu.vector_load_idx %arg12[%add3A_235, %broadcast_in_dim3A_319] : memref<512x32xf32, #tpu.memory_space<vmem>>[vector<16xi32>, vector<16xi32>], vector<16xf32>,
      %gather3A_321 = tpu.vector_load_idx %arg13[%add3A_235, %broadcast_in_dim3A_319] : memref<512x32xf32, #tpu.memory_space<vmem>>[vector<16xi32>, vector<16xi32>], vector<16xf32>,
      %mul3A_322 = arith.mulf %gather3A_320, %gather3A_321 : vector<16xf32>
      %add3A_323 = arith.addf %add3A_317, %mul3A_322 : vector<16xf32>
      %broadcast_in_dim3A_324 = arith.constant 14 : i32
      %broadcast_in_dim3A_325 = vector.broadcast %broadcast_in_dim3A_324 : i32 to vector<16xi32>
      %gather3A_326 = tpu.vector_load_idx %arg12[%add3A_235, %broadcast_in_dim3A_325] : memref<512x32xf32, #tpu.memory_space<vmem>>[vector<16xi32>, vector<16xi32>], vector<16xf32>,
      %gather3A_327 = tpu.vector_load_idx %arg13[%add3A_235, %broadcast_in_dim3A_325] : memref<512x32xf32, #tpu.memory_space<vmem>>[vector<16xi32>, vector<16xi32>], vector<16xf32>,
      %mul3A_328 = arith.mulf %gather3A_326, %gather3A_327 : vector<16xf32>
      %add3A_329 = arith.addf %add3A_323, %mul3A_328 : vector<16xf32>
      %broadcast_in_dim3A_330 = arith.constant 15 : i32
      %broadcast_in_dim3A_331 = vector.broadcast %broadcast_in_dim3A_330 : i32 to vector<16xi32>
      %gather3A_332 = tpu.vector_load_idx %arg12[%add3A_235, %broadcast_in_dim3A_331] : memref<512x32xf32, #tpu.memory_space<vmem>>[vector<16xi32>, vector<16xi32>], vector<16xf32>,
      %gather3A_333 = tpu.vector_load_idx %arg13[%add3A_235, %broadcast_in_dim3A_331] : memref<512x32xf32, #tpu.memory_space<vmem>>[vector<16xi32>, vector<16xi32>], vector<16xf32>,
      %mul3A_334 = arith.mulf %gather3A_332, %gather3A_333 : vector<16xf32>
      %add3A_335 = arith.addf %add3A_329, %mul3A_334 : vector<16xf32>
      %broadcast_in_dim3A_336 = arith.constant 16 : i32
      %broadcast_in_dim3A_337 = vector.broadcast %broadcast_in_dim3A_336 : i32 to vector<16xi32>
      %gather3A_338 = tpu.vector_load_idx %arg12[%add3A_235, %broadcast_in_dim3A_337] : memref<512x32xf32, #tpu.memory_space<vmem>>[vector<16xi32>, vector<16xi32>], vector<16xf32>,
      %gather3A_339 = tpu.vector_load_idx %arg13[%add3A_235, %broadcast_in_dim3A_337] : memref<512x32xf32, #tpu.memory_space<vmem>>[vector<16xi32>, vector<16xi32>], vector<16xf32>,
      %mul3A_340 = arith.mulf %gather3A_338, %gather3A_339 : vector<16xf32>
      %add3A_341 = arith.addf %add3A_335, %mul3A_340 : vector<16xf32>
      %broadcast_in_dim3A_342 = arith.constant 17 : i32
      %broadcast_in_dim3A_343 = vector.broadcast %broadcast_in_dim3A_342 : i32 to vector<16xi32>
      %gather3A_344 = tpu.vector_load_idx %arg12[%add3A_235, %broadcast_in_dim3A_343] : memref<512x32xf32, #tpu.memory_space<vmem>>[vector<16xi32>, vector<16xi32>], vector<16xf32>,
      %gather3A_345 = tpu.vector_load_idx %arg13[%add3A_235, %broadcast_in_dim3A_343] : memref<512x32xf32, #tpu.memory_space<vmem>>[vector<16xi32>, vector<16xi32>], vector<16xf32>,
      %mul3A_346 = arith.mulf %gather3A_344, %gather3A_345 : vector<16xf32>
      %add3A_347 = arith.addf %add3A_341, %mul3A_346 : vector<16xf32>
      %broadcast_in_dim3A_348 = arith.constant 18 : i32
      %broadcast_in_dim3A_349 = vector.broadcast %broadcast_in_dim3A_348 : i32 to vector<16xi32>
      %gather3A_350 = tpu.vector_load_idx %arg12[%add3A_235, %broadcast_in_dim3A_349] : memref<512x32xf32, #tpu.memory_space<vmem>>[vector<16xi32>, vector<16xi32>], vector<16xf32>,
      %gather3A_351 = tpu.vector_load_idx %arg13[%add3A_235, %broadcast_in_dim3A_349] : memref<512x32xf32, #tpu.memory_space<vmem>>[vector<16xi32>, vector<16xi32>], vector<16xf32>,
      %mul3A_352 = arith.mulf %gather3A_350, %gather3A_351 : vector<16xf32>
      %add3A_353 = arith.addf %add3A_347, %mul3A_352 : vector<16xf32>
      %broadcast_in_dim3A_354 = arith.constant 19 : i32
      %broadcast_in_dim3A_355 = vector.broadcast %broadcast_in_dim3A_354 : i32 to vector<16xi32>
      %gather3A_356 = tpu.vector_load_idx %arg12[%add3A_235, %broadcast_in_dim3A_355] : memref<512x32xf32, #tpu.memory_space<vmem>>[vector<16xi32>, vector<16xi32>], vector<16xf32>,
      %gather3A_357 = tpu.vector_load_idx %arg13[%add3A_235, %broadcast_in_dim3A_355] : memref<512x32xf32, #tpu.memory_space<vmem>>[vector<16xi32>, vector<16xi32>], vector<16xf32>,
      %mul3A_358 = arith.mulf %gather3A_356, %gather3A_357 : vector<16xf32>
      %add3A_359 = arith.addf %add3A_353, %mul3A_358 : vector<16xf32>
      %broadcast_in_dim3A_360 = arith.constant 20 : i32
      %broadcast_in_dim3A_361 = vector.broadcast %broadcast_in_dim3A_360 : i32 to vector<16xi32>
      %gather3A_362 = tpu.vector_load_idx %arg12[%add3A_235, %broadcast_in_dim3A_361] : memref<512x32xf32, #tpu.memory_space<vmem>>[vector<16xi32>, vector<16xi32>], vector<16xf32>,
      %gather3A_363 = tpu.vector_load_idx %arg13[%add3A_235, %broadcast_in_dim3A_361] : memref<512x32xf32, #tpu.memory_space<vmem>>[vector<16xi32>, vector<16xi32>], vector<16xf32>,
      %mul3A_364 = arith.mulf %gather3A_362, %gather3A_363 : vector<16xf32>
      %add3A_365 = arith.addf %add3A_359, %mul3A_364 : vector<16xf32>
      %broadcast_in_dim3A_366 = arith.constant 21 : i32
      %broadcast_in_dim3A_367 = vector.broadcast %broadcast_in_dim3A_366 : i32 to vector<16xi32>
      %gather3A_368 = tpu.vector_load_idx %arg12[%add3A_235, %broadcast_in_dim3A_367] : memref<512x32xf32, #tpu.memory_space<vmem>>[vector<16xi32>, vector<16xi32>], vector<16xf32>,
      %gather3A_369 = tpu.vector_load_idx %arg13[%add3A_235, %broadcast_in_dim3A_367] : memref<512x32xf32, #tpu.memory_space<vmem>>[vector<16xi32>, vector<16xi32>], vector<16xf32>,
      %mul3A_370 = arith.mulf %gather3A_368, %gather3A_369 : vector<16xf32>
      %add3A_371 = arith.addf %add3A_365, %mul3A_370 : vector<16xf32>
      %broadcast_in_dim3A_372 = arith.constant 22 : i32
      %broadcast_in_dim3A_373 = vector.broadcast %broadcast_in_dim3A_372 : i32 to vector<16xi32>
      %gather3A_374 = tpu.vector_load_idx %arg12[%add3A_235, %broadcast_in_dim3A_373] : memref<512x32xf32, #tpu.memory_space<vmem>>[vector<16xi32>, vector<16xi32>], vector<16xf32>,
      %gather3A_375 = tpu.vector_load_idx %arg13[%add3A_235, %broadcast_in_dim3A_373] : memref<512x32xf32, #tpu.memory_space<vmem>>[vector<16xi32>, vector<16xi32>], vector<16xf32>,
      %mul3A_376 = arith.mulf %gather3A_374, %gather3A_375 : vector<16xf32>
      %add3A_377 = arith.addf %add3A_371, %mul3A_376 : vector<16xf32>
      %broadcast_in_dim3A_378 = arith.constant 23 : i32
      %broadcast_in_dim3A_379 = vector.broadcast %broadcast_in_dim3A_378 : i32 to vector<16xi32>
      %gather3A_380 = tpu.vector_load_idx %arg12[%add3A_235, %broadcast_in_dim3A_379] : memref<512x32xf32, #tpu.memory_space<vmem>>[vector<16xi32>, vector<16xi32>], vector<16xf32>,
      %gather3A_381 = tpu.vector_load_idx %arg13[%add3A_235, %broadcast_in_dim3A_379] : memref<512x32xf32, #tpu.memory_space<vmem>>[vector<16xi32>, vector<16xi32>], vector<16xf32>,
      %mul3A_382 = arith.mulf %gather3A_380, %gather3A_381 : vector<16xf32>
      %add3A_383 = arith.addf %add3A_377, %mul3A_382 : vector<16xf32>
      %broadcast_in_dim3A_384 = arith.constant 24 : i32
      %broadcast_in_dim3A_385 = vector.broadcast %broadcast_in_dim3A_384 : i32 to vector<16xi32>
      %gather3A_386 = tpu.vector_load_idx %arg12[%add3A_235, %broadcast_in_dim3A_385] : memref<512x32xf32, #tpu.memory_space<vmem>>[vector<16xi32>, vector<16xi32>], vector<16xf32>,
      %gather3A_387 = tpu.vector_load_idx %arg13[%add3A_235, %broadcast_in_dim3A_385] : memref<512x32xf32, #tpu.memory_space<vmem>>[vector<16xi32>, vector<16xi32>], vector<16xf32>,
      %mul3A_388 = arith.mulf %gather3A_386, %gather3A_387 : vector<16xf32>
      %add3A_389 = arith.addf %add3A_383, %mul3A_388 : vector<16xf32>
      %broadcast_in_dim3A_390 = arith.constant 25 : i32
      %broadcast_in_dim3A_391 = vector.broadcast %broadcast_in_dim3A_390 : i32 to vector<16xi32>
      %gather3A_392 = tpu.vector_load_idx %arg12[%add3A_235, %broadcast_in_dim3A_391] : memref<512x32xf32, #tpu.memory_space<vmem>>[vector<16xi32>, vector<16xi32>], vector<16xf32>,
      %gather3A_393 = tpu.vector_load_idx %arg13[%add3A_235, %broadcast_in_dim3A_391] : memref<512x32xf32, #tpu.memory_space<vmem>>[vector<16xi32>, vector<16xi32>], vector<16xf32>,
      %mul3A_394 = arith.mulf %gather3A_392, %gather3A_393 : vector<16xf32>
      %add3A_395 = arith.addf %add3A_389, %mul3A_394 : vector<16xf32>
      %broadcast_in_dim3A_396 = arith.constant 26 : i32
      %broadcast_in_dim3A_397 = vector.broadcast %broadcast_in_dim3A_396 : i32 to vector<16xi32>
      %gather3A_398 = tpu.vector_load_idx %arg12[%add3A_235, %broadcast_in_dim3A_397] : memref<512x32xf32, #tpu.memory_space<vmem>>[vector<16xi32>, vector<16xi32>], vector<16xf32>,
      %gather3A_399 = tpu.vector_load_idx %arg13[%add3A_235, %broadcast_in_dim3A_397] : memref<512x32xf32, #tpu.memory_space<vmem>>[vector<16xi32>, vector<16xi32>], vector<16xf32>,
      %mul3A_400 = arith.mulf %gather3A_398, %gather3A_399 : vector<16xf32>
      %add3A_401 = arith.addf %add3A_395, %mul3A_400 : vector<16xf32>
      %broadcast_in_dim3A_402 = arith.constant 27 : i32
      %broadcast_in_dim3A_403 = vector.broadcast %broadcast_in_dim3A_402 : i32 to vector<16xi32>
      %gather3A_404 = tpu.vector_load_idx %arg12[%add3A_235, %broadcast_in_dim3A_403] : memref<512x32xf32, #tpu.memory_space<vmem>>[vector<16xi32>, vector<16xi32>], vector<16xf32>,
      %gather3A_405 = tpu.vector_load_idx %arg13[%add3A_235, %broadcast_in_dim3A_403] : memref<512x32xf32, #tpu.memory_space<vmem>>[vector<16xi32>, vector<16xi32>], vector<16xf32>,
      %mul3A_406 = arith.mulf %gather3A_404, %gather3A_405 : vector<16xf32>
      %add3A_407 = arith.addf %add3A_401, %mul3A_406 : vector<16xf32>
      %broadcast_in_dim3A_408 = arith.constant 28 : i32
      %broadcast_in_dim3A_409 = vector.broadcast %broadcast_in_dim3A_408 : i32 to vector<16xi32>
      %gather3A_410 = tpu.vector_load_idx %arg12[%add3A_235, %broadcast_in_dim3A_409] : memref<512x32xf32, #tpu.memory_space<vmem>>[vector<16xi32>, vector<16xi32>], vector<16xf32>,
      %gather3A_411 = tpu.vector_load_idx %arg13[%add3A_235, %broadcast_in_dim3A_409] : memref<512x32xf32, #tpu.memory_space<vmem>>[vector<16xi32>, vector<16xi32>], vector<16xf32>,
      %mul3A_412 = arith.mulf %gather3A_410, %gather3A_411 : vector<16xf32>
      %add3A_413 = arith.addf %add3A_407, %mul3A_412 : vector<16xf32>
      %broadcast_in_dim3A_414 = arith.constant 29 : i32
      %broadcast_in_dim3A_415 = vector.broadcast %broadcast_in_dim3A_414 : i32 to vector<16xi32>
      %gather3A_416 = tpu.vector_load_idx %arg12[%add3A_235, %broadcast_in_dim3A_415] : memref<512x32xf32, #tpu.memory_space<vmem>>[vector<16xi32>, vector<16xi32>], vector<16xf32>,
      %gather3A_417 = tpu.vector_load_idx %arg13[%add3A_235, %broadcast_in_dim3A_415] : memref<512x32xf32, #tpu.memory_space<vmem>>[vector<16xi32>, vector<16xi32>], vector<16xf32>,
      %mul3A_418 = arith.mulf %gather3A_416, %gather3A_417 : vector<16xf32>
      %add3A_419 = arith.addf %add3A_413, %mul3A_418 : vector<16xf32>
      %broadcast_in_dim3A_420 = arith.constant 30 : i32
      %broadcast_in_dim3A_421 = vector.broadcast %broadcast_in_dim3A_420 : i32 to vector<16xi32>
      %gather3A_422 = tpu.vector_load_idx %arg12[%add3A_235, %broadcast_in_dim3A_421] : memref<512x32xf32, #tpu.memory_space<vmem>>[vector<16xi32>, vector<16xi32>], vector<16xf32>,
      %gather3A_423 = tpu.vector_load_idx %arg13[%add3A_235, %broadcast_in_dim3A_421] : memref<512x32xf32, #tpu.memory_space<vmem>>[vector<16xi32>, vector<16xi32>], vector<16xf32>,
      %mul3A_424 = arith.mulf %gather3A_422, %gather3A_423 : vector<16xf32>
      %add3A_425 = arith.addf %add3A_419, %mul3A_424 : vector<16xf32>
      %broadcast_in_dim3A_426 = arith.constant 31 : i32
      %broadcast_in_dim3A_427 = vector.broadcast %broadcast_in_dim3A_426 : i32 to vector<16xi32>
      %gather3A_428 = tpu.vector_load_idx %arg12[%add3A_235, %broadcast_in_dim3A_427] : memref<512x32xf32, #tpu.memory_space<vmem>>[vector<16xi32>, vector<16xi32>], vector<16xf32>,
      %gather3A_429 = tpu.vector_load_idx %arg13[%add3A_235, %broadcast_in_dim3A_427] : memref<512x32xf32, #tpu.memory_space<vmem>>[vector<16xi32>, vector<16xi32>], vector<16xf32>,
      %mul3A_430 = arith.mulf %gather3A_428, %gather3A_429 : vector<16xf32>
      %add3A_431 = arith.addf %add3A_425, %mul3A_430 : vector<16xf32>
      %swap3A = arith.index_cast %mul3A_233 : i32 to index
      %swap3A_432 = tpu.vector_load %arg17[%swap3A] {strides = array<i32>} : memref<512xf32, #tpu.memory_space<vmem>>, vector<16xf32>,
      tpu.vector_store %arg17[%swap3A], %add3A_431 {strides = array<i32>} : memref<512xf32, #tpu.memory_space<vmem>>, vector<16xf32>,
    }
    %scan3A_230 = arith.constant 32 : i32
    "tpu.region"() ({
      %run_scoped3A = tpu.sem_alloc : memref<!tpu.dma_semaphore, #tpu.memory_space<semaphore_mem>>
      %dma_start3A_231 = tpu.memref_slice %arg9[%mul3A_2] : memref<16384xf32, #tpu.memory_space<hbm>> -> memref<512xf32, #tpu.memory_space<hbm>>
      %dma_start3A_232 = tpu.memref_slice %arg9[%mul3A_2] : memref<16384xf32, #tpu.memory_space<hbm>> -> memref<512xf32, #tpu.memory_space<hbm>>
      tpu.enqueue_dma source(%arg17 : memref<512xf32, #tpu.memory_space<vmem>>) target(%dma_start3A_232 : memref<512xf32, #tpu.memory_space<hbm>>) target_semaphore(%run_scoped3A : memref<!tpu.dma_semaphore, #tpu.memory_space<semaphore_mem>>)
      %dma_wait3A_233 = tpu.memref_slice %arg9[%mul3A_2] : memref<16384xf32, #tpu.memory_space<hbm>> -> memref<512xf32, #tpu.memory_space<hbm>>
      %dma_wait3A_234 = tpu.memref_slice %arg9[%mul3A_2] : memref<16384xf32, #tpu.memory_space<hbm>> -> memref<512xf32, #tpu.memory_space<hbm>>
      tpu.wait_dma2 semaphore(%run_scoped3A : memref<!tpu.dma_semaphore, #tpu.memory_space<semaphore_mem>>) src(%arg17 : memref<512xf32, #tpu.memory_space<vmem>>) dst(%dma_wait3A_234 : memref<512xf32, #tpu.memory_space<hbm>>)
      tpu.yield
    }) : () -> ()
    return
  }
}

</mosaic_0001>

<sc_bundles>
// kernel: kernel.3.cloned.1.call-start
scs
__scs_entry_jumppad:
0x0: {  	(pc) =	sbr.rel $0x88, $3  }
0x1: {  	(tag) =	ssettag $0x0;
	lr =	simm.s32 $0x1  }
0x2: {  	[smem:$0x3F9A] =	sst lr;
	_ =	strace $0xD0000000  }
0x3: {  	_ = 	snop  }
0x4: {  	_ = 	snop  }
0x5: {  	_ = 	snop  }
0x6: {  	_ = 	snop  }
0x7: {  	_ = 	snop  }
__scs_overlays_trampoline_lowered:
0x8: {  	[smem:$0x3FA9] =	sst s0  }
0x9: {  	[smem:$0x3FAA] =	sst s1  }
0xa: {  	[smem:$0x3FAB] =	sst s2  }
0xb: {  	[smem:$0x3FAC] =	sst s3  }
0xc: {  	[smem:$0x3FAD] =	sst s4  }
0xd: {  	[smem:$0x3FAE] =	sst s5  }
0xe: {  	[smem:$0x3FAF] =	sst s6  }
0xf: {  	[smem:$0x3FB0] =	sst s7  }
0x10: {  	[smem:$0x3FB1] =	sst s8  }
0x11: {  	[smem:$0x3FB2] =	sst s9;
	s0 =	simm.s32 @!p0 $0x0  }
0x12: {  	s1 =	sld [smem:$0x3F98];
	s0 =	simm.s32 @p0 $0x1  }
0x13: {  	[smem:$0x3FB3] =	sst s0;
	s0 =	simm.s32 @!p1 $0x0  }
0x14: {  	s2 =	sld [smem:$0x3F97];
	s0 =	simm.s32 @p1 $0x1  }
0x15: {  	[smem:$0x3FB4] =	sst s0;
	s0 =	simm.s32 @!p2 $0x0  }
0x16: {  	s3 =	sld [smem:$0x3FDB];
	s0 =	simm.s32 @p2 $0x1  }
0x17: {  	s4 =	simm.s32 $0x1BF5;
	[smem:$0x3FB6] =	sst s0  }
0x18: {  	s0 =	sld [smem:$0x3F99];
	_ =	swait.ge [sflag:s4], $0x0  }
0x19: {  	s7 =	sld [smem:$0x3F9A]  }
0x1a: {  	s8 =	sadd.s32 $0xFFFFE003, lr  }
0x1b: {  	s9 =	sadd.s32 $0xFFFFFEF7, lr;
	s5 =	simm.s32 $0xFFFFFFFF;
	p2 =	slt.u32 s8, $0xFFFFF086  }
0x1c: {  	p1 =	slt.u32 s9, $0xF7A;
	s5 =	simm.s32 @!p2 $0x0  }
0x1d: {  	s5 =	simm.s32 @p1 $0x1;
	p0 =	seq.s32 s7, s2  }
0x1e: {  	s7 =	smul.u32 @!p0 $0xF7A, s2;
	p2 =	seq.s32 @!p0 s5, $0x0  }
0x1f: {  	s9 =	smul.u32 $0xF7A, s1;
	s8 =	simm.s32 @!p0 $0x1BF5;
	p2 =	por !p2, p0  }
0x20: {  	[sflag:s8] =	ssyncset.s32 @!p0 $0xFFFFF086;
	s6 =	sadd.s32 @!p0 s3, s7;
	s7 =	simm.s32 @!p0 $0x108  }
0x21: {  	s3 =	sadd.s32 s3, s9;
	s6 =	sadd.s32 @!p0 $0x88, s6;
	s7 =	simm.s32 @p2 $0x1082  }
0x22: {  	[simem:s7], [sflag:s8] =	dma.local @!p0 [hbm:s6], $0xF7A  }
0x23: {  	s9 =	sor.u32 $0xD0000000, s2;
	s6 =	simm.s32 $0x108;
	_ =	swait.ge @!p0 [sflag:s8], $0x0  }
0x24: {  	s3 =	sadd.s32 $0x88, s3;
	s6 =	simm.s32 @!p1 $0x1082;
	[sflag:s4] =	ssyncset.s32 $0xFFFFF086  }
0x25: {  	[simem:s6], [sflag:s4] =	dma.local [hbm:s3], $0xF7A  }
0x26: {  	[smem:$0x3F9A] =	sst s1;
	(tag) =	ssettag s2;
	_ =	strace s9  }
0x27: {  	s1 =	sld [smem:$0x3FAA]  }
0x28: {  	s2 =	sld [smem:$0x3FAB]  }
0x29: {  	s4 =	sld [smem:$0x3FAD]  }
0x2a: {  	p0 =	seq.s32 s5, $0x0;
	s5 =	sld [smem:$0x3FAE]  }
0x2b: {  	s6 =	sld [smem:$0x3FAF]  }
0x2c: {  	s7 =	sld [smem:$0x3FB0]  }
0x2d: {  	s3 =	simm.s32 $0x108;
	s8 =	sld [smem:$0x3FB1]  }
0x2e: {  	s3 =	simm.s32 @!p0 $0x1082;
	s9 =	sld [smem:$0x3FB2]  }
0x2f: {  	lr =	sadd.s32 s0, s3;
	s0 =	sld [smem:$0x3FA9]  }
0x30: {  	s3 =	sld [smem:$0x3FAC]  }
0x31: {  	[smem:$0x3FB5] =	sst s10  }
0x32: {  	s10 =	sld [smem:$0x3FB3];
	_ =	sdelay $0x3  }
0x33: {  	p0 =	seq.s32 s10, $0x1;
	s10 =	sld [smem:$0x3FB5];
	_ =	sdelay $0x3  }
0x34: {  	[smem:$0x3FB5] =	sst s10  }
0x35: {  	s10 =	sld [smem:$0x3FB4];
	_ =	sdelay $0x3  }
0x36: {  	p1 =	seq.s32 s10, $0x1;
	s10 =	sld [smem:$0x3FB5];
	_ =	sdelay $0x3  }
0x37: {  	[smem:$0x3FB5] =	sst s10  }
0x38: {  	s10 =	sld [smem:$0x3FB6]  }
0x39: {  	_ = 	snop;
	(pc) =	sbr.ind lr, $3  }
0x3a: {  	_ = 	snop  }
0x3b: {  	_ = 	snop  }
0x3c: {  	p2 =	seq.s32 s10, $0x1;
	s10 =	sld [smem:$0x3FB5]  }
0x3d: {  	_ =	shalt  }
0x3e: {  	_ =	shalt  }
0x3f: {  	_ =	shalt  }
0x40: {  	_ =	shalt  }
0x41: {  	_ =	shalt  }
0x42: {  	_ =	shalt  }
0x43: {  	_ =	shalt  }
0x44: {  	_ =	shalt  }
0x45: {  	_ =	shalt  }
0x46: {  	_ =	shalt  }
0x47: {  	_ =	shalt  }
0x48: {  	_ =	shalt  }
0x49: {  	_ =	shalt  }
0x4a: {  	_ =	shalt  }
0x4b: {  	_ =	shalt  }
0x4c: {  	_ =	shalt  }
0x4d: {  	_ =	shalt  }
0x4e: {  	_ =	shalt  }
0x4f: {  	_ =	shalt  }
0x50: {  	_ =	shalt  }
0x51: {  	_ =	shalt  }
0x52: {  	_ =	shalt  }
0x53: {  	_ =	shalt  }
0x54: {  	_ =	shalt  }
0x55: {  	_ =	shalt  }
0x56: {  	_ =	shalt  }
0x57: {  	_ =	shalt  }
0x58: {  	_ =	shalt  }
0x59: {  	_ =	shalt  }
0x5a: {  	_ =	shalt  }
0x5b: {  	_ =	shalt  }
0x5c: {  	_ =	shalt  }
0x5d: {  	_ =	shalt  }
0x5e: {  	_ =	shalt  }
0x5f: {  	_ =	shalt  }
0x60: {  	_ =	shalt  }
0x61: {  	_ =	shalt  }
0x62: {  	_ =	shalt  }
0x63: {  	_ =	shalt  }
0x64: {  	_ =	shalt  }
0x65: {  	_ =	shalt  }
0x66: {  	_ =	shalt  }
0x67: {  	_ =	shalt  }
0x68: {  	_ =	shalt  }
0x69: {  	_ =	shalt  }
0x6a: {  	_ =	shalt  }
0x6b: {  	_ =	shalt  }
0x6c: {  	_ =	shalt  }
0x6d: {  	_ =	shalt  }
0x6e: {  	_ =	shalt  }
0x6f: {  	_ =	shalt  }
0x70: {  	_ =	shalt  }
0x71: {  	_ =	shalt  }
0x72: {  	_ =	shalt  }
0x73: {  	_ =	shalt  }
0x74: {  	_ =	shalt  }
0x75: {  	_ =	shalt  }
0x76: {  	_ =	shalt  }
0x77: {  	_ =	shalt  }
0x78: {  	_ =	shalt  }
0x79: {  	_ =	shalt  }
0x7a: {  	_ =	shalt  }
0x7b: {  	_ =	shalt  }
0x7c: {  	_ =	shalt  }
0x7d: {  	_ =	shalt  }
0x7e: {  	_ =	shalt  }
0x7f: {  	_ =	shalt  }
0x80: {  	_ =	shalt  }
0x81: {  	_ =	shalt  }
0x82: {  	_ =	shalt  }
0x83: {  	_ =	shalt  }
0x84: {  	_ =	shalt  }
0x85: {  	_ =	shalt  }
0x86: {  	_ =	shalt  }
0x87: {  	_ =	shalt  }
.Lfunc_end0:
.L_simem_size_0:
called_computation_lowered:
.L_overlay_start_0:
0x88: {  	s2 =	sld [smem:$0x3FD9]  }
0x89: {  	s3 =	sld [smem:$0x3FFE];
	_ =	sdelay $0x1  }
0x8a: {  	s1 =	srdreg.scid  }
0x8b: {  	s0 =	sand.u32 $0x1, s1  }
0x8c: {  	s17 =	sshll.u32 s0, $0xA;
	s2 =	sadd.s32 s3, s2  }
0x8d: {  	s2 =	sadd.s32 s2, s17  }
0x8e: {  	[smem:$0x3FC1] =	sst s2  }
0x8f: {  	_ = 	snop  }
0x90: {  	s2 =	sld [smem:$0x3FC9]  }
0x91: {  	s18 =	sld [smem:$0x3FC8]  }
0x92: {  	s4 =	sld [smem:$0x3FD0];
	(tm) =	ssettm $0x1  }
0x93: {  	s5 =	sld [smem:$0x3FFB];
	_ =	sdelay $0x3  }
0x94: {  	_ =	strace s5  }
0x95: {  	s5 =	sld [smem:$0x3FFC];
	_ =	sdelay $0x3  }
0x96: {  	_ =	strace s5  }
0x97: {  	s5 =	sld [smem:$0x3FFD];
	_ =	sdelay $0x3  }
0x98: {  	_ =	strace s5  }
0x99: {  	_ =	strace $0x8FFFFFFF  }
0x9a: {  	s19 =	sld [smem:$0x3FDB];
	_ =	sdelay $0x1  }
0x9b: {  	s6 =	simm.s32 $_scs_section_size  }
0x9c: {  	s7 =	simm.s32 $_size__tile_overlayer_lowered;
	s8 =	simm.s32 $_tile_overlayer_lowered  }
0x9d: {  	s22 =	simm.s32 $0x1BFF;
	s21 =	sshll.u32 s8, $0x1;
	s5 =	sadd.s32 s6, s19  }
0x9e: {  	s9 =	simm.s32 $0x0;
	s20 =	sshll.u32 s7, $0x1;
	s7 =	sadd.s32 s21, s5  }
0x9f: {  	[timem:s9], [sflag:s22] =	dma.local [hbm:s7], s20  }
0xa0: {  	_ =	swait.ge [sflag:s22], s20  }
0xa1: {  	s6 =	ssub.s32 $0x0, s20;
	[sflag:s22] =	ssyncset.done $0x0  }
0xa2: {  	[sflag:s22] =	ssyncadd.s32 s6;
	_ =	sdelay $0x1  }
0xa3: {  	s23 =	simm.s32 $0x1B8B  }
0xa4: {  	_ =	swait.ge [sflag:s23], $0x1  }
0xa5: {  	[sflag:s23] =	ssyncset.done $0x0  }
0xa6: {  	s25 =	simm.s32 $0x1B8E;
	s24 =	sld [smem:$0x3FFE];
	[sflag:s23] =	ssyncadd.s32 $0xFFFFFFFF  }
0xa7: {  	s26 =	simm.s32 $execute0_lowered;
	[smem:$0x3FD2] =	sst s25  }
0xa8: {  	s7 =	sshll.u32 s26, $0x1;
	_ =	strace $0x80000046;
	[dreg:$0x1] =	wrdreg $0xFFFFFFFF  }
0xa9: {  	s28 =	simm.s32 $_size_execute0_lowered;
	s5 =	sadd.s32 s5, s7;
	[dreg:$0x0] =	wrdreg $0x0  }
0xaa: {  	s7 =	sshll.u32 s28, $0x1;
	[dreg:$0x2] =	wrdreg s5  }
0xab: {  	[dreg:$0x3] =	wrdreg s7  }
0xac: {  	[dreg:$0x4] =	wrdreg $0xC0  }
0xad: {  	_ =	task [dreg:s9], $0x5FFFF  }
0xae: {  	[dreg:$0x1] =	wrdreg $0xFFFFFFFF  }
0xaf: {  	[dreg:$0x0] =	wrdreg $0x60  }
0xb0: {  	[dreg:$0x2] =	wrdreg s2  }
0xb1: {  	[dreg:$0x3] =	wrdreg s18  }
0xb2: {  	[dreg:$0x4] =	wrdreg s24  }
0xb3: {  	[dreg:$0x5] =	wrdreg s4  }
0xb4: {  	[dreg:$0x6] =	wrdreg $0x9  }
0xb5: {  	_ =	task.clear_ibuf [dreg:s9], $0x7FFFF;
	_ =	strace $0x90000046  }
0xb6: {  	s29 =	simm.s32 $0x9;
	_ =	strace $0x80000048  }
0xb7: {  	_ =	swait.ge [sflag:s29], $0x1  }
0xb8: {  	[sflag:s29] =	ssyncadd.s32 $0xFFFFFFFF  }
0xb9: {  	_ =	strace $0x90000048  }
0xba: {  	_ =	sfence  }
0xbb: {  	s30 =	sld [smem:$0x0];
	_ =	sdelay $0x2  }
0xbc: {  	s31 =	sshll.u32 s1, $0xD;
	s1 =	sshrl.u32 s1, $0x2  }
0xbd: {  	s3 =	sand.u32 $0x4000, s31;
	s1 =	sadd.s32 s1, s30  }
0xbe: {  	s0 =	sor.u32 s3, s0;
	s1 =	sshll.u32 s1, $0x11  }
0xbf: {  	s0 =	sor.u32 s1, s0  }
0xc0: {  	s0 =	sadd.s32 $0x8F2B, s0  }
0xc1: {  	[sflag:s0] =	ssyncadd.remote.s32 $0x1  }
0xc2: {  	_ =	sfence.sel $0xFFFF  }
0xc3: {  	[dreg:$0x0] =	wrdreg $0xFFFFFFFF;
	(pc) =	sbr.abs _section_cstart, $3  }
0xc4: {  	[dreg:$0x1] =	wrdreg $0xFFFFFFFF  }
0xc5: {  	_ =	task.clear_ibuf [dreg:s9], $0x2FFFF;
	_ =	strace $0x9FFFFFFF  }
0xc6: {  	(tm) =	ssettm $0x7FFFFFFF  }
0xc7: {  	_ =	shalt  }
tec
execute0_lowered:
.L_overlay_start_1:
0x0: {  	(tag) =	ssettag $0x1  }
0x1: {  	s0 =	rddreg [dreg:$0x0]  }
0x2: {  	s3 =	rddreg [dreg:$0x1]  }
0x3: {  	s1 =	rddreg [dreg:$0x2]  }
0x4: {  	s10 =	rddreg [dreg:$0x3];
	s2 =	simm.s32 $0x0  }
0x5: {  	s6 =	srdreg.scid;
	s11 =	stileid.u32;
	s15 =	simm.s32 $0x80  }
0x6: {  	s16 =	simm.s32 $0x400;
	s17 =	simm.s32 $0x4400;
	s19 =	simm.s32 $0x280  }
0x7: {  	s23 =	simm.s32 $0x100;
	s25 =	simm.s32 $0x300;
	s30 =	simm.s32 $0x180  }
0x8: {  	s31 =	simm.s32 $0x3400;
	s14 =	simm.s32 $0x8580;
	s18 =	simm.s32 $0x8780  }
0x9: {  	s20 =	simm.s32 $0x1;
	s21 =	simm.s32 $0x8810;
	[smem:$0x7FF] =	sst s2  }
0xa: {  	s22 =	simm.s32 $0x0;
	s4 =	sadd.s32 $0x1312E00, s1;
	s5 =	sadd.s32 $0xF42400, s1  }
0xb: {  	s7 =	sand.u32 $0x1, s6;
	s6 =	sadd.s32 $0x1EA00, s1;
	s11 =	sshll.u32 s11, $0x7  }
0xc: {  	_ =	strace $0x80000047;
	s8 =	ssub.s32 $0x2, s7;
	s12 =	sshll.u32 s7, $0x6  }
0xd: {  	s7 =	sadd.s32 $0x3D400, s1;
	s9 =	sshrl.u32 s8, $0x1;
	s11 =	sor.u32 s12, s11  }
0xe: {  	s12 =	simm.s32 $0x2;
	s13 =	ssub.s32 s8, s9;
	s8 =	sadd.s32 s0, s11  }
0xf: {  	v0 =	vlaneseq.u32;
	s9 =	sadd.s32 s3, s11;
	s10 =	sadd.s32 s10, s11;
	s0 =	simm.s32 $0x380  }
0x10: {  	v0 =	vmul.u32 $0x20, v0;
	s3 =	simm.s32 $0x7400;
	s11 =	smax.u32 s13, $0x1;
	s13 =	simm.s32 $0x200  }
.LBB2_1:
0x11: {  	[tilespmem:s2], [sflag:$0x2] =	stream.linear.gather [hbm4b:s8+s2], $0x200, $0x38;
	[tilespmem:$0x8A10] =	vst v63  }
0x12: {  	_ =	swait.ge [sflag:s12], $0x200  }
0x13: {  	[sflag:s12] =	ssyncset.done $0x0  }
0x14: {  	[sflag:s12] =	ssyncadd.s32 $0xFFFFFE00  }
0x15: {  	[tilespmem:s13], [sflag:$0x2] =	stream.linear.gather [hbm4b:s9+s2], $0x200, $0x38;
	[tilespmem:$0x8A10] =	vst v63  }
0x16: {  	_ =	swait.ge [sflag:s12], $0x200  }
0x17: {  	[sflag:s12] =	ssyncset.done $0x0  }
0x18: {  	s24 =	simm.s32 $0x8800;
	[sflag:s12] =	ssyncadd.s32 $0xFFFFFE00  }
0x19: {  	[tilespmem:s24], [sflag:$0x2] =	stream.linear.gather [hbm4b:s7+s2], $0x10, $0x38;
	[tilespmem:$0x8A10] =	vst v63  }
0x1a: {  	_ =	swait.ge [sflag:s12], $0x10  }
0x1b: {  	[sflag:s12] =	ssyncset.done $0x0  }
0x1c: {  	[sflag:s12] =	ssyncadd.s32 $0xFFFFFFF0  }
0x1d: {  	[tilespmem:s16], [sflag:$0x1] =	stream.indirect.gather [hbm4b:s4+s15], $0x20, s2, s15, $0xb8;
	[tilespmem:$0x8A10] =	vst v63  }
0x1e: {  	_ = 	snop  }
0x1f: {  	[tilespmem:s17], [sflag:$0x1] =	stream.indirect.gather [hbm4b:s5+s15], $0x20, s13, s15, $0xb8;
	[tilespmem:$0x8A10] =	vst v63  }
0x20: {  	s26 =	simm.s32 $0x8400  }
0x21: {  	[tilespmem:s26], [sflag:$0x1] =	stream.indirect.gather [hbm4b:s6+s15], $0x1, s2, s15, $0xb8;
	[tilespmem:$0x8A10] =	vst v63  }
0x22: {  	s24 =	simm.s32 $0x8600  }
0x23: {  	[tilespmem:s24], [sflag:$0x1] =	stream.indirect.gather [hbm4b:s1+s15], $0x1, s13, s15, $0xb8;
	[tilespmem:$0x8A10] =	vst v63  }
0x24: {  	s28 =	simm.s32 $0x1400  }
0x25: {  	[tilespmem:s28], [sflag:$0x1] =	stream.indirect.gather [hbm4b:s4+s15], $0x20, s15, s15, $0xb8;
	[tilespmem:$0x8A10] =	vst v63  }
0x26: {  	s28 =	simm.s32 $0x5400  }
0x27: {  	[tilespmem:s28], [sflag:$0x1] =	stream.indirect.gather [hbm4b:s5+s15], $0x20, s19, s15, $0xb8;
	[tilespmem:$0x8A10] =	vst v63  }
0x28: {  	s28 =	simm.s32 $0x8480  }
0x29: {  	[tilespmem:s28], [sflag:$0x1] =	stream.indirect.gather [hbm4b:s6+s15], $0x1, s15, s15, $0xb8;
	[tilespmem:$0x8A10] =	vst v63  }
0x2a: {  	s28 =	simm.s32 $0x8680  }
0x2b: {  	[tilespmem:s28], [sflag:$0x1] =	stream.indirect.gather [hbm4b:s1+s15], $0x1, s19, s15, $0xb8;
	[tilespmem:$0x8A10] =	vst v63  }
0x2c: {  	s28 =	simm.s32 $0x2400  }
0x2d: {  	[tilespmem:s28], [sflag:$0x1] =	stream.indirect.gather [hbm4b:s4+s15], $0x20, s23, s15, $0xb8;
	[tilespmem:$0x8A10] =	vst v63  }
0x2e: {  	s28 =	simm.s32 $0x6400  }
0x2f: {  	[tilespmem:s28], [sflag:$0x1] =	stream.indirect.gather [hbm4b:s5+s15], $0x20, s25, s15, $0xb8;
	[tilespmem:$0x8A10] =	vst v63  }
0x30: {  	s28 =	simm.s32 $0x8500  }
0x31: {  	[tilespmem:s28], [sflag:$0x1] =	stream.indirect.gather [hbm4b:s6+s15], $0x1, s23, s15, $0xb8;
	[tilespmem:$0x8A10] =	vst v63  }
0x32: {  	s28 =	simm.s32 $0x8700  }
0x33: {  	[tilespmem:s28], [sflag:$0x1] =	stream.indirect.gather [hbm4b:s1+s15], $0x1, s25, s15, $0xb8;
	[tilespmem:$0x8A10] =	vst v63  }
0x34: {  	_ = 	snop  }
0x35: {  	[tilespmem:s31], [sflag:$0x1] =	stream.indirect.gather [hbm4b:s4+s15], $0x20, s30, s15, $0xb8;
	[tilespmem:$0x8A10] =	vst v63  }
0x36: {  	_ = 	snop  }
0x37: {  	[tilespmem:s3], [sflag:$0x1] =	stream.indirect.gather [hbm4b:s5+s15], $0x20, s0, s15, $0xb8;
	[tilespmem:$0x8A10] =	vst v63  }
0x38: {  	_ = 	snop  }
0x39: {  	[tilespmem:s14], [sflag:$0x1] =	stream.indirect.gather [hbm4b:s6+s15], $0x1, s30, s15, $0xb8;
	[tilespmem:$0x8A10] =	vst v63  }
0x3a: {  	_ = 	snop  }
0x3b: {  	[tilespmem:s18], [sflag:$0x1] =	stream.indirect.gather [hbm4b:s1+s15], $0x1, s0, s15, $0xb8;
	[tilespmem:$0x8A10] =	vst v63  }
0x3c: {  	_ =	swait.ge [sflag:s20], $0x1000  }
0x3d: {  	[sflag:s20] =	ssyncset.done $0x0  }
0x3e: {  	[sflag:s20] =	ssyncadd.s32 $0xFFFFF000  }
0x3f: {  	_ =	swait.ge [sflag:s20], $0x1000  }
0x40: {  	[sflag:s20] =	ssyncset.done $0x0  }
0x41: {  	[sflag:s20] =	ssyncadd.s32 $0xFFFFF000  }
0x42: {  	_ =	swait.ge [sflag:s20], $0x80  }
0x43: {  	[sflag:s20] =	ssyncset.done $0x0  }
0x44: {  	[sflag:s20] =	ssyncadd.s32 $0xFFFFFF80  }
0x45: {  	_ =	swait.ge [sflag:s20], $0x80  }
0x46: {  	[sflag:s20] =	ssyncset.done $0x0  }
0x47: {  	[sflag:s20] =	ssyncadd.s32 $0xFFFFFF80  }
0x48: {  	_ =	swait.ge [sflag:s20], $0x1000  }
0x49: {  	[sflag:s20] =	ssyncset.done $0x0  }
0x4a: {  	[sflag:s20] =	ssyncadd.s32 $0xFFFFF000  }
0x4b: {  	_ =	swait.ge [sflag:s20], $0x1000  }
0x4c: {  	[sflag:s20] =	ssyncset.done $0x0  }
0x4d: {  	[sflag:s20] =	ssyncadd.s32 $0xFFFFF000  }
0x4e: {  	_ =	swait.ge [sflag:s20], $0x80  }
0x4f: {  	[sflag:s20] =	ssyncset.done $0x0  }
0x50: {  	[sflag:s20] =	ssyncadd.s32 $0xFFFFFF80  }
0x51: {  	_ =	swait.ge [sflag:s20], $0x80  }
0x52: {  	[sflag:s20] =	ssyncset.done $0x0  }
0x53: {  	[sflag:s20] =	ssyncadd.s32 $0xFFFFFF80  }
0x54: {  	_ =	swait.ge [sflag:s20], $0x1000  }
0x55: {  	[sflag:s20] =	ssyncset.done $0x0  }
0x56: {  	[sflag:s20] =	ssyncadd.s32 $0xFFFFF000  }
0x57: {  	_ =	swait.ge [sflag:s20], $0x1000  }
0x58: {  	[sflag:s20] =	ssyncset.done $0x0  }
0x59: {  	[sflag:s20] =	ssyncadd.s32 $0xFFFFF000  }
0x5a: {  	_ =	swait.ge [sflag:s20], $0x80  }
0x5b: {  	[sflag:s20] =	ssyncset.done $0x0  }
0x5c: {  	[sflag:s20] =	ssyncadd.s32 $0xFFFFFF80  }
0x5d: {  	_ =	swait.ge [sflag:s20], $0x80  }
0x5e: {  	[sflag:s20] =	ssyncset.done $0x0  }
0x5f: {  	[sflag:s20] =	ssyncadd.s32 $0xFFFFFF80  }
0x60: {  	_ =	swait.ge [sflag:s20], $0x1000  }
0x61: {  	[sflag:s20] =	ssyncset.done $0x0  }
0x62: {  	[sflag:s20] =	ssyncadd.s32 $0xFFFFF000  }
0x63: {  	_ =	swait.ge [sflag:s20], $0x1000  }
0x64: {  	[sflag:s20] =	ssyncset.done $0x0  }
0x65: {  	[sflag:s20] =	ssyncadd.s32 $0xFFFFF000  }
0x66: {  	v1 =	vmov s2;
	_ =	swait.ge [sflag:s20], $0x80  }
0x67: {  	v1 =	vshll.u32 v1, $0x5;
	[sflag:s20] =	ssyncset.done $0x0  }
0x68: {  	v2 =	vor.u32 v0, v1;
	[sflag:s20] =	ssyncadd.s32 $0xFFFFFF80  }
0x69: {  	_ =	swait.ge [sflag:s20], $0x80  }
0x6a: {  	[sflag:s20] =	ssyncset.done $0x0  }
0x6b: {  	[sflag:s20] =	ssyncadd.s32 $0xFFFFFF80  }
0x6c: {  	v3 =	vor.u32 $0x1, v2;
	v1 =	vld [tilespmem:$0x8800]  }
0x6d: {  	v4 =	vld.idx.msk [tilespmem:v2+s16+$0x0], $0xffff  }
0x6e: {  	v5 =	vor.u32 $0x2, v2;
	v6 =	vld [tilespmem:s26+$0x0]  }
0x6f: {  	v7 =	vld.idx.msk [tilespmem:v2+s17+$0x0], $0xffff  }
0x70: {  	v8 =	vor.u32 $0x3, v2;
	v9 =	vld [tilespmem:s24+$0x0]  }
0x71: {  	v10 =	vld.idx.msk [tilespmem:v3+s16+$0x0], $0xffff  }
0x72: {  	v11 =	vor.u32 $0x4, v2;
	v3 =	vld.idx.msk [tilespmem:v3+s17+$0x0], $0xffff  }
0x73: {  	v12 =	vld.idx.msk [tilespmem:v5+s16+$0x0], $0xffff;
	v6 =	vadd.f32 v6, v1  }
0x74: {  	v13 =	vor.u32 $0x5, v2;
	v5 =	vld.idx.msk [tilespmem:v5+s17+$0x0], $0xffff  }
0x75: {  	v14 =	vld.idx.msk [tilespmem:v8+s16+$0x0], $0xffff;
	v4 =	vmul.f32 v7, v4;
	v6 =	vadd.f32 v9, v6  }
0x76: {  	v47 =	vor.u32 $0x6, v2;
	v7 =	vld.idx.msk [tilespmem:v8+s17+$0x0], $0xffff  }
0x77: {  	v48 =	vld.idx.msk [tilespmem:v11+s16+$0x0], $0xffff;
	v3 =	vmul.f32 v3, v10;
	v4 =	vadd.f32 v4, v6  }
0x78: {  	v49 =	vor.u32 $0x7, v2;
	v6 =	vld.idx.msk [tilespmem:v11+s17+$0x0], $0xffff  }
0x79: {  	v50 =	vld.idx.msk [tilespmem:v13+s16+$0x0], $0xffff;
	v3 =	vadd.f32 v3, v4;
	v4 =	vmul.f32 v5, v12  }
0x7a: {  	v51 =	vor.u32 $0x8, v2;
	v5 =	vld.idx.msk [tilespmem:v13+s17+$0x0], $0xffff  }
0x7b: {  	v52 =	vld.idx.msk [tilespmem:v47+s16+$0x0], $0xffff;
	v3 =	vadd.f32 v4, v3;
	v4 =	vmul.f32 v7, v14  }
0x7c: {  	v53 =	vor.u32 $0x9, v2;
	v7 =	vld.idx.msk [tilespmem:v47+s17+$0x0], $0xffff  }
0x7d: {  	v54 =	vld.idx.msk [tilespmem:v49+s16+$0x0], $0xffff;
	v3 =	vadd.f32 v4, v3;
	v4 =	vmul.f32 v6, v48  }
0x7e: {  	v55 =	vor.u32 $0xA, v2;
	v6 =	vld.idx.msk [tilespmem:v49+s17+$0x0], $0xffff  }
0x7f: {  	v56 =	vld.idx.msk [tilespmem:v51+s16+$0x0], $0xffff;
	v3 =	vadd.f32 v4, v3;
	v4 =	vmul.f32 v5, v50  }
0x80: {  	v57 =	vor.u32 $0xB, v2;
	v5 =	vld.idx.msk [tilespmem:v51+s17+$0x0], $0xffff  }
0x81: {  	v58 =	vld.idx.msk [tilespmem:v53+s16+$0x0], $0xffff;
	v3 =	vadd.f32 v4, v3;
	v4 =	vmul.f32 v7, v52  }
0x82: {  	v59 =	vor.u32 $0xC, v2;
	v7 =	vld.idx.msk [tilespmem:v53+s17+$0x0], $0xffff  }
0x83: {  	v60 =	vld.idx.msk [tilespmem:v55+s16+$0x0], $0xffff;
	v3 =	vadd.f32 v4, v3;
	v4 =	vmul.f32 v6, v54  }
0x84: {  	v61 =	vor.u32 $0xD, v2;
	v6 =	vld.idx.msk [tilespmem:v55+s17+$0x0], $0xffff  }
0x85: {  	v62 =	vld.idx.msk [tilespmem:v57+s16+$0x0], $0xffff;
	v3 =	vadd.f32 v4, v3;
	v4 =	vmul.f32 v5, v56  }
0x86: {  	v63 =	vor.u32 $0xE, v2;
	v5 =	vld.idx.msk [tilespmem:v57+s17+$0x0], $0xffff  }
0x87: {  	v16 =	vld.idx.msk [tilespmem:v59+s16+$0x0], $0xffff;
	v3 =	vadd.f32 v4, v3;
	v4 =	vmul.f32 v7, v58  }
0x88: {  	v17 =	vor.u32 $0xF, v2;
	v7 =	vld.idx.msk [tilespmem:v59+s17+$0x0], $0xffff  }
0x89: {  	v18 =	vld.idx.msk [tilespmem:v61+s16+$0x0], $0xffff;
	v3 =	vadd.f32 v4, v3;
	v4 =	vmul.f32 v6, v60  }
0x8a: {  	v19 =	vor.u32 $0x10, v2;
	v6 =	vld.idx.msk [tilespmem:v61+s17+$0x0], $0xffff  }
0x8b: {  	v20 =	vld.idx.msk [tilespmem:v63+s16+$0x0], $0xffff;
	v3 =	vadd.f32 v4, v3;
	v4 =	vmul.f32 v5, v62  }
0x8c: {  	v21 =	vor.u32 $0x11, v2;
	v5 =	vld.idx.msk [tilespmem:v63+s17+$0x0], $0xffff  }
0x8d: {  	v22 =	vld.idx.msk [tilespmem:v17+s16+$0x0], $0xffff;
	v3 =	vadd.f32 v4, v3;
	v4 =	vmul.f32 v7, v16  }
0x8e: {  	v23 =	vor.u32 $0x12, v2;
	v7 =	vld.idx.msk [tilespmem:v17+s17+$0x0], $0xffff  }
0x8f: {  	v24 =	vld.idx.msk [tilespmem:v19+s16+$0x0], $0xffff;
	v3 =	vadd.f32 v4, v3;
	v4 =	vmul.f32 v6, v18  }
0x90: {  	v25 =	vor.u32 $0x13, v2;
	v6 =	vld.idx.msk [tilespmem:v19+s17+$0x0], $0xffff  }
0x91: {  	v26 =	vld.idx.msk [tilespmem:v21+s16+$0x0], $0xffff;
	v3 =	vadd.f32 v4, v3;
	v4 =	vmul.f32 v5, v20  }
0x92: {  	v27 =	vor.u32 $0x14, v2;
	v5 =	vld.idx.msk [tilespmem:v21+s17+$0x0], $0xffff  }
0x93: {  	v28 =	vld.idx.msk [tilespmem:v23+s16+$0x0], $0xffff;
	v3 =	vadd.f32 v4, v3;
	v4 =	vmul.f32 v7, v22  }
0x94: {  	v29 =	vor.u32 $0x15, v2;
	v7 =	vld.idx.msk [tilespmem:v23+s17+$0x0], $0xffff  }
0x95: {  	v30 =	vld.idx.msk [tilespmem:v25+s16+$0x0], $0xffff;
	v3 =	vadd.f32 v4, v3;
	v4 =	vmul.f32 v6, v24  }
0x96: {  	v31 =	vor.u32 $0x16, v2;
	v6 =	vld.idx.msk [tilespmem:v25+s17+$0x0], $0xffff  }
0x97: {  	v32 =	vld.idx.msk [tilespmem:v27+s16+$0x0], $0xffff;
	v3 =	vadd.f32 v4, v3;
	v4 =	vmul.f32 v5, v26  }
0x98: {  	v33 =	vor.u32 $0x17, v2;
	v5 =	vld.idx.msk [tilespmem:v27+s17+$0x0], $0xffff  }
0x99: {  	v34 =	vld.idx.msk [tilespmem:v29+s16+$0x0], $0xffff;
	v3 =	vadd.f32 v4, v3;
	v4 =	vmul.f32 v7, v28  }
0x9a: {  	v35 =	vor.u32 $0x18, v2;
	v7 =	vld.idx.msk [tilespmem:v29+s17+$0x0], $0xffff  }
0x9b: {  	v36 =	vld.idx.msk [tilespmem:v31+s16+$0x0], $0xffff;
	v3 =	vadd.f32 v4, v3;
	v4 =	vmul.f32 v6, v30  }
0x9c: {  	v37 =	vor.u32 $0x19, v2;
	v6 =	vld.idx.msk [tilespmem:v31+s17+$0x0], $0xffff  }
0x9d: {  	v38 =	vld.idx.msk [tilespmem:v33+s16+$0x0], $0xffff;
	v3 =	vadd.f32 v4, v3;
	v4 =	vmul.f32 v5, v32  }
0x9e: {  	v39 =	vor.u32 $0x1A, v2;
	v5 =	vld.idx.msk [tilespmem:v33+s17+$0x0], $0xffff  }
0x9f: {  	v40 =	vld.idx.msk [tilespmem:v35+s16+$0x0], $0xffff;
	v3 =	vadd.f32 v4, v3;
	v4 =	vmul.f32 v7, v34  }
0xa0: {  	v41 =	vor.u32 $0x1B, v2;
	v7 =	vld.idx.msk [tilespmem:v35+s17+$0x0], $0xffff  }
0xa1: {  	v42 =	vld.idx.msk [tilespmem:v37+s16+$0x0], $0xffff;
	v3 =	vadd.f32 v4, v3;
	v4 =	vmul.f32 v6, v36  }
0xa2: {  	v43 =	vor.u32 $0x1C, v2;
	v6 =	vld.idx.msk [tilespmem:v37+s17+$0x0], $0xffff  }
0xa3: {  	v44 =	vld.idx.msk [tilespmem:v39+s16+$0x0], $0xffff;
	v3 =	vadd.f32 v4, v3;
	v4 =	vmul.f32 v5, v38  }
0xa4: {  	v45 =	vor.u32 $0x1D, v2;
	v5 =	vld.idx.msk [tilespmem:v39+s17+$0x0], $0xffff  }
0xa5: {  	v46 =	vld.idx.msk [tilespmem:v41+s16+$0x0], $0xffff;
	v3 =	vadd.f32 v4, v3;
	v4 =	vmul.f32 v7, v40  }
0xa6: {  	v47 =	vor.u32 $0x1E, v2;
	v7 =	vld.idx.msk [tilespmem:v41+s17+$0x0], $0xffff  }
0xa7: {  	v48 =	vld.idx.msk [tilespmem:v43+s16+$0x0], $0xffff;
	v3 =	vadd.f32 v4, v3;
	v4 =	vmul.f32 v6, v42  }
0xa8: {  	v2 =	vor.u32 $0x1F, v2;
	v6 =	vld.idx.msk [tilespmem:v43+s17+$0x0], $0xffff  }
0xa9: {  	v49 =	vld.idx.msk [tilespmem:v45+s16+$0x0], $0xffff;
	v3 =	vadd.f32 v4, v3;
	v4 =	vmul.f32 v5, v44  }
0xaa: {  	v5 =	vld.idx.msk [tilespmem:v45+s17+$0x0], $0xffff  }
0xab: {  	v50 =	vld.idx.msk [tilespmem:v47+s16+$0x0], $0xffff;
	v3 =	vadd.f32 v4, v3;
	v4 =	vmul.f32 v7, v46  }
0xac: {  	v7 =	vld.idx.msk [tilespmem:v47+s17+$0x0], $0xffff  }
0xad: {  	v51 =	vld.idx.msk [tilespmem:v2+s16+$0x0], $0xffff;
	v3 =	vadd.f32 v4, v3;
	v4 =	vmul.f32 v6, v48  }
0xae: {  	v6 =	vld.idx.msk [tilespmem:v2+s17+$0x0], $0xffff  }
0xaf: {  	v2 =	vadd.f32 v4, v3;
	v3 =	vmul.f32 v5, v49  }
0xb0: {  	s26 =	simm.s32 $0x10  }
0xb1: {  	v4 =	vmov s26;
	v5 =	vmul.f32 v7, v50;
	v3 =	vadd.f32 v3, v2  }
0xb2: {  	v2 =	vshll.u32 v4, $0x5  }
0xb3: {  	v2 =	vor.u32 v0, v2;
	v4 =	vmul.f32 v6, v51;
	v3 =	vadd.f32 v5, v3;
	_ =	sdelay $0x1  }
0xb4: {  	v3 =	vadd.f32 v4, v3;
	_ =	sdelay $0x1  }
0xb5: {  	v4 =	vor.u32 $0x1, v2;
	[tilespmem:s21+$0x0] =	vst v3  }
0xb6: {  	s24 =	simm.s32 $0x8410;
	v3 =	vld.idx.msk [tilespmem:v2+s16+$0x0], $0xffff  }
0xb7: {  	v5 =	vor.u32 $0x2, v2;
	v6 =	vld [tilespmem:s24+$0x0]  }
0xb8: {  	s26 =	simm.s32 $0x8610;
	v7 =	vld.idx.msk [tilespmem:v2+s17+$0x0], $0xffff  }
0xb9: {  	v52 =	vor.u32 $0x3, v2;
	v53 =	vld [tilespmem:s26+$0x0]  }
0xba: {  	v54 =	vld.idx.msk [tilespmem:v4+s16+$0x0], $0xffff  }
0xbb: {  	v55 =	vor.u32 $0x4, v2;
	v4 =	vld.idx.msk [tilespmem:v4+s17+$0x0], $0xffff  }
0xbc: {  	v56 =	vld.idx.msk [tilespmem:v5+s16+$0x0], $0xffff;
	v6 =	vadd.f32 v6, v1  }
0xbd: {  	v57 =	vor.u32 $0x5, v2;
	v5 =	vld.idx.msk [tilespmem:v5+s17+$0x0], $0xffff  }
0xbe: {  	v58 =	vld.idx.msk [tilespmem:v52+s16+$0x0], $0xffff;
	v3 =	vmul.f32 v7, v3;
	v6 =	vadd.f32 v53, v6  }
0xbf: {  	v59 =	vor.u32 $0x6, v2;
	v7 =	vld.idx.msk [tilespmem:v52+s17+$0x0], $0xffff  }
0xc0: {  	v60 =	vld.idx.msk [tilespmem:v55+s16+$0x0], $0xffff;
	v4 =	vmul.f32 v4, v54;
	v3 =	vadd.f32 v3, v6  }
0xc1: {  	v61 =	vor.u32 $0x7, v2;
	v6 =	vld.idx.msk [tilespmem:v55+s17+$0x0], $0xffff  }
0xc2: {  	v62 =	vld.idx.msk [tilespmem:v57+s16+$0x0], $0xffff;
	v3 =	vadd.f32 v4, v3;
	v4 =	vmul.f32 v5, v56  }
0xc3: {  	v63 =	vor.u32 $0x8, v2;
	v5 =	vld.idx.msk [tilespmem:v57+s17+$0x0], $0xffff  }
0xc4: {  	v16 =	vld.idx.msk [tilespmem:v59+s16+$0x0], $0xffff;
	v3 =	vadd.f32 v4, v3;
	v4 =	vmul.f32 v7, v58  }
0xc5: {  	v17 =	vor.u32 $0x9, v2;
	v7 =	vld.idx.msk [tilespmem:v59+s17+$0x0], $0xffff  }
0xc6: {  	v18 =	vld.idx.msk [tilespmem:v61+s16+$0x0], $0xffff;
	v3 =	vadd.f32 v4, v3;
	v4 =	vmul.f32 v6, v60  }
0xc7: {  	v19 =	vor.u32 $0xA, v2;
	v6 =	vld.idx.msk [tilespmem:v61+s17+$0x0], $0xffff  }
0xc8: {  	v20 =	vld.idx.msk [tilespmem:v63+s16+$0x0], $0xffff;
	v3 =	vadd.f32 v4, v3;
	v4 =	vmul.f32 v5, v62  }
0xc9: {  	v21 =	vor.u32 $0xB, v2;
	v5 =	vld.idx.msk [tilespmem:v63+s17+$0x0], $0xffff  }
0xca: {  	v22 =	vld.idx.msk [tilespmem:v17+s16+$0x0], $0xffff;
	v3 =	vadd.f32 v4, v3;
	v4 =	vmul.f32 v7, v16  }
0xcb: {  	v23 =	vor.u32 $0xC, v2;
	v7 =	vld.idx.msk [tilespmem:v17+s17+$0x0], $0xffff  }
0xcc: {  	v24 =	vld.idx.msk [tilespmem:v19+s16+$0x0], $0xffff;
	v3 =	vadd.f32 v4, v3;
	v4 =	vmul.f32 v6, v18  }
0xcd: {  	v25 =	vor.u32 $0xD, v2;
	v6 =	vld.idx.msk [tilespmem:v19+s17+$0x0], $0xffff  }
0xce: {  	v26 =	vld.idx.msk [tilespmem:v21+s16+$0x0], $0xffff;
	v3 =	vadd.f32 v4, v3;
	v4 =	vmul.f32 v5, v20  }
0xcf: {  	v27 =	vor.u32 $0xE, v2;
	v5 =	vld.idx.msk [tilespmem:v21+s17+$0x0], $0xffff  }
0xd0: {  	v28 =	vld.idx.msk [tilespmem:v23+s16+$0x0], $0xffff;
	v3 =	vadd.f32 v4, v3;
	v4 =	vmul.f32 v7, v22  }
0xd1: {  	v29 =	vor.u32 $0xF, v2;
	v7 =	vld.idx.msk [tilespmem:v23+s17+$0x0], $0xffff  }
0xd2: {  	v30 =	vld.idx.msk [tilespmem:v25+s16+$0x0], $0xffff;
	v3 =	vadd.f32 v4, v3;
	v4 =	vmul.f32 v6, v24  }
0xd3: {  	v31 =	vor.u32 $0x10, v2;
	v6 =	vld.idx.msk [tilespmem:v25+s17+$0x0], $0xffff  }
0xd4: {  	v32 =	vld.idx.msk [tilespmem:v27+s16+$0x0], $0xffff;
	v3 =	vadd.f32 v4, v3;
	v4 =	vmul.f32 v5, v26  }
0xd5: {  	v33 =	vor.u32 $0x11, v2;
	v5 =	vld.idx.msk [tilespmem:v27+s17+$0x0], $0xffff  }
0xd6: {  	v34 =	vld.idx.msk [tilespmem:v29+s16+$0x0], $0xffff;
	v3 =	vadd.f32 v4, v3;
	v4 =	vmul.f32 v7, v28  }
0xd7: {  	v35 =	vor.u32 $0x12, v2;
	v7 =	vld.idx.msk [tilespmem:v29+s17+$0x0], $0xffff  }
0xd8: {  	v36 =	vld.idx.msk [tilespmem:v31+s16+$0x0], $0xffff;
	v3 =	vadd.f32 v4, v3;
	v4 =	vmul.f32 v6, v30  }
0xd9: {  	v37 =	vor.u32 $0x13, v2;
	v6 =	vld.idx.msk [tilespmem:v31+s17+$0x0], $0xffff  }
0xda: {  	v38 =	vld.idx.msk [tilespmem:v33+s16+$0x0], $0xffff;
	v3 =	vadd.f32 v4, v3;
	v4 =	vmul.f32 v5, v32  }
0xdb: {  	v39 =	vor.u32 $0x14, v2;
	v5 =	vld.idx.msk [tilespmem:v33+s17+$0x0], $0xffff  }
0xdc: {  	v40 =	vld.idx.msk [tilespmem:v35+s16+$0x0], $0xffff;
	v3 =	vadd.f32 v4, v3;
	v4 =	vmul.f32 v7, v34  }
0xdd: {  	v41 =	vor.u32 $0x15, v2;
	v7 =	vld.idx.msk [tilespmem:v35+s17+$0x0], $0xffff  }
0xde: {  	v42 =	vld.idx.msk [tilespmem:v37+s16+$0x0], $0xffff;
	v3 =	vadd.f32 v4, v3;
	v4 =	vmul.f32 v6, v36  }
0xdf: {  	v43 =	vor.u32 $0x16, v2;
	v6 =	vld.idx.msk [tilespmem:v37+s17+$0x0], $0xffff  }
0xe0: {  	v44 =	vld.idx.msk [tilespmem:v39+s16+$0x0], $0xffff;
	v3 =	vadd.f32 v4, v3;
	v4 =	vmul.f32 v5, v38  }
0xe1: {  	v45 =	vor.u32 $0x17, v2;
	v5 =	vld.idx.msk [tilespmem:v39+s17+$0x0], $0xffff  }
0xe2: {  	v46 =	vld.idx.msk [tilespmem:v41+s16+$0x0], $0xffff;
	v3 =	vadd.f32 v4, v3;
	v4 =	vmul.f32 v7, v40  }
0xe3: {  	v47 =	vor.u32 $0x18, v2;
	v7 =	vld.idx.msk [tilespmem:v41+s17+$0x0], $0xffff  }
0xe4: {  	v48 =	vld.idx.msk [tilespmem:v43+s16+$0x0], $0xffff;
	v3 =	vadd.f32 v4, v3;
	v4 =	vmul.f32 v6, v42  }
0xe5: {  	v49 =	vor.u32 $0x19, v2;
	v6 =	vld.idx.msk [tilespmem:v43+s17+$0x0], $0xffff  }
0xe6: {  	v50 =	vld.idx.msk [tilespmem:v45+s16+$0x0], $0xffff;
	v3 =	vadd.f32 v4, v3;
	v4 =	vmul.f32 v5, v44  }
0xe7: {  	v51 =	vor.u32 $0x1A, v2;
	v5 =	vld.idx.msk [tilespmem:v45+s17+$0x0], $0xffff  }
0xe8: {  	v52 =	vld.idx.msk [tilespmem:v47+s16+$0x0], $0xffff;
	v3 =	vadd.f32 v4, v3;
	v4 =	vmul.f32 v7, v46  }
0xe9: {  	v53 =	vor.u32 $0x1B, v2;
	v7 =	vld.idx.msk [tilespmem:v47+s17+$0x0], $0xffff  }
0xea: {  	v54 =	vld.idx.msk [tilespmem:v49+s16+$0x0], $0xffff;
	v3 =	vadd.f32 v4, v3;
	v4 =	vmul.f32 v6, v48  }
0xeb: {  	v55 =	vor.u32 $0x1C, v2;
	v6 =	vld.idx.msk [tilespmem:v49+s17+$0x0], $0xffff  }
0xec: {  	v56 =	vld.idx.msk [tilespmem:v51+s16+$0x0], $0xffff;
	v3 =	vadd.f32 v4, v3;
	v4 =	vmul.f32 v5, v50  }
0xed: {  	v57 =	vor.u32 $0x1D, v2;
	v5 =	vld.idx.msk [tilespmem:v51+s17+$0x0], $0xffff  }
0xee: {  	v58 =	vld.idx.msk [tilespmem:v53+s16+$0x0], $0xffff;
	v3 =	vadd.f32 v4, v3;
	v4 =	vmul.f32 v7, v52  }
0xef: {  	v59 =	vor.u32 $0x1E, v2;
	v7 =	vld.idx.msk [tilespmem:v53+s17+$0x0], $0xffff  }
0xf0: {  	v60 =	vld.idx.msk [tilespmem:v55+s16+$0x0], $0xffff;
	v3 =	vadd.f32 v4, v3;
	v4 =	vmul.f32 v6, v54  }
0xf1: {  	v2 =	vor.u32 $0x1F, v2;
	v6 =	vld.idx.msk [tilespmem:v55+s17+$0x0], $0xffff  }
0xf2: {  	v61 =	vld.idx.msk [tilespmem:v57+s16+$0x0], $0xffff;
	v3 =	vadd.f32 v4, v3;
	v4 =	vmul.f32 v5, v56  }
0xf3: {  	v5 =	vld.idx.msk [tilespmem:v57+s17+$0x0], $0xffff  }
0xf4: {  	v62 =	vld.idx.msk [tilespmem:v59+s16+$0x0], $0xffff;
	v3 =	vadd.f32 v4, v3;
	v4 =	vmul.f32 v7, v58  }
0xf5: {  	v7 =	vld.idx.msk [tilespmem:v59+s17+$0x0], $0xffff  }
0xf6: {  	v63 =	vld.idx.msk [tilespmem:v2+s16+$0x0], $0xffff;
	v3 =	vadd.f32 v4, v3;
	v4 =	vmul.f32 v6, v60  }
0xf7: {  	v6 =	vld.idx.msk [tilespmem:v2+s17+$0x0], $0xffff  }
0xf8: {  	s28 =	simm.s32 $0x20;
	v2 =	vadd.f32 v4, v3;
	v3 =	vmul.f32 v5, v61  }
0xf9: {  	v4 =	vmov s28  }
0xfa: {  	v4 =	vshll.u32 v4, $0x5;
	v7 =	vmul.f32 v7, v62;
	v5 =	vadd.f32 v3, v2  }
0xfb: {  	v2 =	vor.u32 v0, v4  }
0xfc: {  	v3 =	vor.u32 $0x1, v2;
	v4 =	vadd.f32 v7, v5;
	v5 =	vmul.f32 v6, v63  }
0xfd: {  	s29 =	simm.s32 $0x30;
	s28 =	simm.s32 $0x8810  }
.LBB2_2:
0xfe: {  	p0 =	sne.s32 s29, $0x1F0;
	v4 =	vadd.f32 v5, v4  }
0xff: {  	s28 =	sadd.s32 $0x10, s28  }
0x100: {  	[tilespmem:s28+$0x0] =	vst v4  }
0x101: {  	v4 =	vld.idx.msk [tilespmem:v3+s16+$0x0], $0xffff  }
0x102: {  	v6 =	vor.u32 $0x2, v2;
	s24 =	sadd.s32 $0x10, s24;
	v5 =	vld.idx.msk [tilespmem:v2+s16+$0x0], $0xffff  }
0x103: {  	v7 =	vld [tilespmem:s24+$0x0]  }
0x104: {  	v9 =	vor.u32 $0x3, v2;
	s26 =	sadd.s32 $0x10, s26;
	v8 =	vld.idx.msk [tilespmem:v2+s17+$0x0], $0xffff  }
0x105: {  	v10 =	vld [tilespmem:s26+$0x0]  }
0x106: {  	v11 =	vor.u32 $0x4, v2;
	v3 =	vld.idx.msk [tilespmem:v3+s17+$0x0], $0xffff  }
0x107: {  	v12 =	vld.idx.msk [tilespmem:v6+s16+$0x0], $0xffff  }
0x108: {  	v13 =	vor.u32 $0x5, v2;
	v7 =	vadd.f32 v7, v1;
	v6 =	vld.idx.msk [tilespmem:v6+s17+$0x0], $0xffff  }
0x109: {  	v14 =	vld.idx.msk [tilespmem:v9+s16+$0x0], $0xffff  }
0x10a: {  	v5 =	vmul.f32 v8, v5;
	v7 =	vadd.f32 v10, v7;
	v8 =	vld.idx.msk [tilespmem:v9+s17+$0x0], $0xffff;
	v9 =	vor.u32 $0x6, v2  }
0x10b: {  	v10 =	vld.idx.msk [tilespmem:v11+s16+$0x0], $0xffff  }
0x10c: {  	v3 =	vmul.f32 v3, v4;
	v5 =	vadd.f32 v5, v7;
	v4 =	vld.idx.msk [tilespmem:v11+s17+$0x0], $0xffff;
	v7 =	vor.u32 $0x7, v2  }
0x10d: {  	v11 =	vld.idx.msk [tilespmem:v13+s16+$0x0], $0xffff  }
0x10e: {  	v3 =	vadd.f32 v3, v5;
	v5 =	vmul.f32 v6, v12;
	v6 =	vld.idx.msk [tilespmem:v13+s17+$0x0], $0xffff;
	v12 =	vor.u32 $0x8, v2  }
0x10f: {  	v13 =	vld.idx.msk [tilespmem:v9+s16+$0x0], $0xffff  }
0x110: {  	v3 =	vadd.f32 v5, v3;
	v5 =	vmul.f32 v8, v14;
	v8 =	vld.idx.msk [tilespmem:v9+s17+$0x0], $0xffff;
	v9 =	vor.u32 $0x9, v2  }
0x111: {  	v14 =	vld.idx.msk [tilespmem:v7+s16+$0x0], $0xffff  }
0x112: {  	v4 =	vmul.f32 v4, v10;
	v3 =	vadd.f32 v5, v3;
	v5 =	vld.idx.msk [tilespmem:v7+s17+$0x0], $0xffff;
	v7 =	vor.u32 $0xA, v2  }
0x113: {  	v10 =	vld.idx.msk [tilespmem:v12+s16+$0x0], $0xffff  }
0x114: {  	v3 =	vadd.f32 v4, v3;
	v4 =	vmul.f32 v6, v11;
	v6 =	vld.idx.msk [tilespmem:v12+s17+$0x0], $0xffff;
	v11 =	vor.u32 $0xB, v2  }
0x115: {  	v12 =	vld.idx.msk [tilespmem:v9+s16+$0x0], $0xffff  }
0x116: {  	v3 =	vadd.f32 v4, v3;
	v4 =	vmul.f32 v8, v13;
	v8 =	vld.idx.msk [tilespmem:v9+s17+$0x0], $0xffff;
	v9 =	vor.u32 $0xC, v2  }
0x117: {  	v13 =	vld.idx.msk [tilespmem:v7+s16+$0x0], $0xffff  }
0x118: {  	v3 =	vadd.f32 v4, v3;
	v4 =	vmul.f32 v5, v14;
	v5 =	vld.idx.msk [tilespmem:v7+s17+$0x0], $0xffff;
	v7 =	vor.u32 $0xD, v2  }
0x119: {  	v14 =	vld.idx.msk [tilespmem:v11+s16+$0x0], $0xffff  }
0x11a: {  	v3 =	vadd.f32 v4, v3;
	v4 =	vmul.f32 v6, v10;
	v6 =	vld.idx.msk [tilespmem:v11+s17+$0x0], $0xffff;
	v10 =	vor.u32 $0xE, v2  }
0x11b: {  	v11 =	vld.idx.msk [tilespmem:v9+s16+$0x0], $0xffff  }
0x11c: {  	v3 =	vadd.f32 v4, v3;
	v4 =	vmul.f32 v8, v12;
	v8 =	vld.idx.msk [tilespmem:v9+s17+$0x0], $0xffff;
	v9 =	vor.u32 $0xF, v2  }
0x11d: {  	v12 =	vld.idx.msk [tilespmem:v7+s16+$0x0], $0xffff  }
0x11e: {  	v3 =	vadd.f32 v4, v3;
	v4 =	vmul.f32 v5, v13;
	v5 =	vld.idx.msk [tilespmem:v7+s17+$0x0], $0xffff;
	v7 =	vor.u32 $0x10, v2  }
0x11f: {  	v13 =	vld.idx.msk [tilespmem:v10+s16+$0x0], $0xffff  }
0x120: {  	v3 =	vadd.f32 v4, v3;
	v4 =	vmul.f32 v6, v14;
	v6 =	vld.idx.msk [tilespmem:v10+s17+$0x0], $0xffff;
	v10 =	vor.u32 $0x11, v2  }
0x121: {  	v14 =	vld.idx.msk [tilespmem:v9+s16+$0x0], $0xffff  }
0x122: {  	v3 =	vadd.f32 v4, v3;
	v4 =	vmul.f32 v8, v11;
	v8 =	vld.idx.msk [tilespmem:v9+s17+$0x0], $0xffff;
	v9 =	vor.u32 $0x12, v2  }
0x123: {  	v11 =	vld.idx.msk [tilespmem:v7+s16+$0x0], $0xffff  }
0x124: {  	v3 =	vadd.f32 v4, v3;
	v4 =	vmul.f32 v5, v12;
	v5 =	vld.idx.msk [tilespmem:v7+s17+$0x0], $0xffff;
	v7 =	vor.u32 $0x13, v2  }
0x125: {  	v12 =	vld.idx.msk [tilespmem:v10+s16+$0x0], $0xffff  }
0x126: {  	v3 =	vadd.f32 v4, v3;
	v4 =	vmul.f32 v6, v13;
	v6 =	vld.idx.msk [tilespmem:v10+s17+$0x0], $0xffff;
	v10 =	vor.u32 $0x14, v2  }
0x127: {  	v13 =	vld.idx.msk [tilespmem:v9+s16+$0x0], $0xffff  }
0x128: {  	v3 =	vadd.f32 v4, v3;
	v4 =	vmul.f32 v8, v14;
	v8 =	vld.idx.msk [tilespmem:v9+s17+$0x0], $0xffff;
	v9 =	vor.u32 $0x15, v2  }
0x129: {  	v14 =	vld.idx.msk [tilespmem:v7+s16+$0x0], $0xffff  }
0x12a: {  	v3 =	vadd.f32 v4, v3;
	v4 =	vmul.f32 v5, v11;
	v5 =	vld.idx.msk [tilespmem:v7+s17+$0x0], $0xffff;
	v7 =	vor.u32 $0x16, v2  }
0x12b: {  	v11 =	vld.idx.msk [tilespmem:v10+s16+$0x0], $0xffff  }
0x12c: {  	v3 =	vadd.f32 v4, v3;
	v4 =	vmul.f32 v6, v12;
	v6 =	vld.idx.msk [tilespmem:v10+s17+$0x0], $0xffff;
	v10 =	vor.u32 $0x17, v2  }
0x12d: {  	v12 =	vld.idx.msk [tilespmem:v9+s16+$0x0], $0xffff  }
0x12e: {  	v3 =	vadd.f32 v4, v3;
	v4 =	vmul.f32 v8, v13;
	v8 =	vld.idx.msk [tilespmem:v9+s17+$0x0], $0xffff;
	v9 =	vor.u32 $0x18, v2  }
0x12f: {  	v13 =	vld.idx.msk [tilespmem:v7+s16+$0x0], $0xffff  }
0x130: {  	v3 =	vadd.f32 v4, v3;
	v4 =	vmul.f32 v5, v14;
	v5 =	vld.idx.msk [tilespmem:v7+s17+$0x0], $0xffff;
	v7 =	vor.u32 $0x19, v2  }
0x131: {  	v14 =	vld.idx.msk [tilespmem:v10+s16+$0x0], $0xffff  }
0x132: {  	v3 =	vadd.f32 v4, v3;
	v4 =	vmul.f32 v6, v11;
	v6 =	vld.idx.msk [tilespmem:v10+s17+$0x0], $0xffff;
	v10 =	vor.u32 $0x1A, v2  }
0x133: {  	v11 =	vld.idx.msk [tilespmem:v9+s16+$0x0], $0xffff  }
0x134: {  	v3 =	vadd.f32 v4, v3;
	v4 =	vmul.f32 v8, v12;
	v8 =	vld.idx.msk [tilespmem:v9+s17+$0x0], $0xffff;
	v9 =	vor.u32 $0x1B, v2  }
0x135: {  	v12 =	vld.idx.msk [tilespmem:v7+s16+$0x0], $0xffff  }
0x136: {  	v3 =	vadd.f32 v4, v3;
	v4 =	vmul.f32 v5, v13;
	v5 =	vld.idx.msk [tilespmem:v7+s17+$0x0], $0xffff;
	v7 =	vor.u32 $0x1C, v2  }
0x137: {  	v13 =	vld.idx.msk [tilespmem:v10+s16+$0x0], $0xffff  }
0x138: {  	v3 =	vadd.f32 v4, v3;
	v4 =	vmul.f32 v6, v14;
	v6 =	vld.idx.msk [tilespmem:v10+s17+$0x0], $0xffff;
	v10 =	vor.u32 $0x1D, v2  }
0x139: {  	v14 =	vld.idx.msk [tilespmem:v9+s16+$0x0], $0xffff  }
0x13a: {  	v3 =	vadd.f32 v4, v3;
	v4 =	vmul.f32 v8, v11;
	v8 =	vld.idx.msk [tilespmem:v9+s17+$0x0], $0xffff;
	v9 =	vor.u32 $0x1E, v2  }
0x13b: {  	v11 =	vld.idx.msk [tilespmem:v7+s16+$0x0], $0xffff  }
0x13c: {  	v2 =	vor.u32 $0x1F, v2;
	v3 =	vadd.f32 v4, v3;
	v4 =	vmul.f32 v5, v12;
	v5 =	vld.idx.msk [tilespmem:v7+s17+$0x0], $0xffff  }
0x13d: {  	v7 =	vld.idx.msk [tilespmem:v10+s16+$0x0], $0xffff  }
0x13e: {  	v3 =	vadd.f32 v4, v3;
	v4 =	vmul.f32 v6, v13;
	v6 =	vld.idx.msk [tilespmem:v10+s17+$0x0], $0xffff  }
0x13f: {  	v10 =	vld.idx.msk [tilespmem:v9+s16+$0x0], $0xffff  }
0x140: {  	v3 =	vadd.f32 v4, v3;
	v4 =	vmul.f32 v8, v14;
	v8 =	vld.idx.msk [tilespmem:v9+s17+$0x0], $0xffff  }
0x141: {  	v9 =	vld.idx.msk [tilespmem:v2+s16+$0x0], $0xffff  }
0x142: {  	v3 =	vadd.f32 v4, v3;
	v4 =	vmul.f32 v5, v11;
	v5 =	vld.idx.msk [tilespmem:v2+s17+$0x0], $0xffff;
	_ =	sdelay $0x1  }
0x143: {  	v2 =	vadd.f32 v4, v3;
	v3 =	vmul.f32 v6, v7  }
.Ltmp0:
0x144: {  	v4 =	vmov s29;
	(pc) =	sbr.rel @p0 .LBB2_2-.Ltmp0, $4  }
0x145: {  	v4 =	vshll.u32 v4, $0x5;
	v7 =	vmul.f32 v8, v10;
	v6 =	vadd.f32 v3, v2  }
0x146: {  	v2 =	vor.u32 v0, v4  }
0x147: {  	v3 =	vor.u32 $0x1, v2;
	v5 =	vmul.f32 v5, v9;
	v4 =	vadd.f32 v7, v6  }
0x148: {  	s29 =	sadd.s32 $0x10, s29  }
0x149: {  	_ = 	snop  }
0x14a: {  	v4 =	vadd.f32 v5, v4  }
0x14b: {  	s28 =	sadd.s32 $0x10, s28  }
0x14c: {  	[tilespmem:s28+$0x0] =	vst v4  }
0x14d: {  	s24 =	sadd.s32 $0x10, s24;
	v4 =	vld.idx.msk [tilespmem:v2+s16+$0x0], $0xffff  }
0x14e: {  	v29 =	vor.u32 $0x2, v2;
	v6 =	vld [tilespmem:s24+$0x0]  }
0x14f: {  	s26 =	sadd.s32 $0x10, s26;
	v7 =	vld.idx.msk [tilespmem:v2+s17+$0x0], $0xffff  }
0x150: {  	v8 =	vor.u32 $0x3, v2;
	v9 =	vld [tilespmem:s26+$0x0]  }
0x151: {  	v10 =	vld.idx.msk [tilespmem:v3+s16+$0x0], $0xffff  }
0x152: {  	v11 =	vor.u32 $0x4, v2;
	v3 =	vld.idx.msk [tilespmem:v3+s17+$0x0], $0xffff  }
0x153: {  	v12 =	vld.idx.msk [tilespmem:v29+s16+$0x0], $0xffff;
	v1 =	vadd.f32 v6, v1  }
0x154: {  	v30 =	vor.u32 $0x5, v2;
	v5 =	vld.idx.msk [tilespmem:v29+s17+$0x0], $0xffff  }
0x155: {  	v13 =	vld.idx.msk [tilespmem:v8+s16+$0x0], $0xffff;
	v4 =	vmul.f32 v7, v4;
	v1 =	vadd.f32 v9, v1  }
0x156: {  	v32 =	vor.u32 $0x6, v2;
	v31 =	vld.idx.msk [tilespmem:v8+s17+$0x0], $0xffff  }
0x157: {  	v33 =	vld.idx.msk [tilespmem:v11+s16+$0x0], $0xffff;
	v3 =	vmul.f32 v3, v10;
	v1 =	vadd.f32 v4, v1  }
0x158: {  	v35 =	vor.u32 $0x7, v2;
	v34 =	vld.idx.msk [tilespmem:v11+s17+$0x0], $0xffff  }
0x159: {  	v36 =	vld.idx.msk [tilespmem:v30+s16+$0x0], $0xffff;
	v1 =	vadd.f32 v3, v1;
	v3 =	vmul.f32 v5, v12  }
0x15a: {  	v38 =	vor.u32 $0x8, v2;
	v37 =	vld.idx.msk [tilespmem:v30+s17+$0x0], $0xffff  }
0x15b: {  	v39 =	vld.idx.msk [tilespmem:v32+s16+$0x0], $0xffff;
	v1 =	vadd.f32 v3, v1;
	v3 =	vmul.f32 v31, v13  }
0x15c: {  	v41 =	vor.u32 $0x9, v2;
	v40 =	vld.idx.msk [tilespmem:v32+s17+$0x0], $0xffff  }
0x15d: {  	v42 =	vld.idx.msk [tilespmem:v35+s16+$0x0], $0xffff;
	v1 =	vadd.f32 v3, v1;
	v3 =	vmul.f32 v34, v33  }
0x15e: {  	v44 =	vor.u32 $0xA, v2;
	v43 =	vld.idx.msk [tilespmem:v35+s17+$0x0], $0xffff  }
0x15f: {  	v45 =	vld.idx.msk [tilespmem:v38+s16+$0x0], $0xffff;
	v1 =	vadd.f32 v3, v1;
	v3 =	vmul.f32 v37, v36  }
0x160: {  	v47 =	vor.u32 $0xB, v2;
	v46 =	vld.idx.msk [tilespmem:v38+s17+$0x0], $0xffff  }
0x161: {  	v48 =	vld.idx.msk [tilespmem:v41+s16+$0x0], $0xffff;
	v1 =	vadd.f32 v3, v1;
	v3 =	vmul.f32 v40, v39  }
0x162: {  	v50 =	vor.u32 $0xC, v2;
	v49 =	vld.idx.msk [tilespmem:v41+s17+$0x0], $0xffff  }
0x163: {  	v51 =	vld.idx.msk [tilespmem:v44+s16+$0x0], $0xffff;
	v1 =	vadd.f32 v3, v1;
	v3 =	vmul.f32 v43, v42  }
0x164: {  	v53 =	vor.u32 $0xD, v2;
	v52 =	vld.idx.msk [tilespmem:v44+s17+$0x0], $0xffff  }
0x165: {  	v54 =	vld.idx.msk [tilespmem:v47+s16+$0x0], $0xffff;
	v1 =	vadd.f32 v3, v1;
	v3 =	vmul.f32 v46, v45  }
0x166: {  	v56 =	vor.u32 $0xE, v2;
	v55 =	vld.idx.msk [tilespmem:v47+s17+$0x0], $0xffff  }
0x167: {  	v57 =	vld.idx.msk [tilespmem:v50+s16+$0x0], $0xffff;
	v1 =	vadd.f32 v3, v1;
	v3 =	vmul.f32 v49, v48  }
0x168: {  	v59 =	vor.u32 $0xF, v2;
	v58 =	vld.idx.msk [tilespmem:v50+s17+$0x0], $0xffff  }
0x169: {  	v60 =	vld.idx.msk [tilespmem:v53+s16+$0x0], $0xffff;
	v1 =	vadd.f32 v3, v1;
	v3 =	vmul.f32 v52, v51  }
0x16a: {  	v62 =	vor.u32 $0x10, v2;
	v61 =	vld.idx.msk [tilespmem:v53+s17+$0x0], $0xffff  }
0x16b: {  	v63 =	vld.idx.msk [tilespmem:v56+s16+$0x0], $0xffff;
	v1 =	vadd.f32 v3, v1;
	v3 =	vmul.f32 v55, v54  }
0x16c: {  	v17 =	vor.u32 $0x11, v2;
	v16 =	vld.idx.msk [tilespmem:v56+s17+$0x0], $0xffff  }
0x16d: {  	v18 =	vld.idx.msk [tilespmem:v59+s16+$0x0], $0xffff;
	v1 =	vadd.f32 v3, v1;
	v3 =	vmul.f32 v58, v57  }
0x16e: {  	v20 =	vor.u32 $0x12, v2;
	v19 =	vld.idx.msk [tilespmem:v59+s17+$0x0], $0xffff  }
0x16f: {  	v21 =	vld.idx.msk [tilespmem:v62+s16+$0x0], $0xffff;
	v1 =	vadd.f32 v3, v1;
	v3 =	vmul.f32 v61, v60  }
0x170: {  	v23 =	vor.u32 $0x13, v2;
	v22 =	vld.idx.msk [tilespmem:v62+s17+$0x0], $0xffff  }
0x171: {  	v24 =	vld.idx.msk [tilespmem:v17+s16+$0x0], $0xffff;
	v1 =	vadd.f32 v3, v1;
	v3 =	vmul.f32 v16, v63  }
0x172: {  	v26 =	vor.u32 $0x14, v2;
	v25 =	vld.idx.msk [tilespmem:v17+s17+$0x0], $0xffff  }
0x173: {  	v27 =	vld.idx.msk [tilespmem:v20+s16+$0x0], $0xffff;
	v1 =	vadd.f32 v3, v1;
	v3 =	vmul.f32 v19, v18  }
0x174: {  	v28 =	vld.idx.msk [tilespmem:v20+s17+$0x0], $0xffff;
	v29 =	vor.u32 $0x15, v2  }
0x175: {  	v30 =	vld.idx.msk [tilespmem:v23+s16+$0x0], $0xffff;
	v1 =	vadd.f32 v3, v1;
	v3 =	vmul.f32 v22, v21  }
0x176: {  	v32 =	vor.u32 $0x16, v2;
	v31 =	vld.idx.msk [tilespmem:v23+s17+$0x0], $0xffff  }
0x177: {  	v33 =	vld.idx.msk [tilespmem:v26+s16+$0x0], $0xffff;
	v1 =	vadd.f32 v3, v1;
	v3 =	vmul.f32 v25, v24  }
0x178: {  	v35 =	vor.u32 $0x17, v2;
	v34 =	vld.idx.msk [tilespmem:v26+s17+$0x0], $0xffff  }
0x179: {  	v36 =	vld.idx.msk [tilespmem:v29+s16+$0x0], $0xffff;
	v1 =	vadd.f32 v3, v1;
	v3 =	vmul.f32 v28, v27  }
0x17a: {  	v38 =	vor.u32 $0x18, v2;
	v37 =	vld.idx.msk [tilespmem:v29+s17+$0x0], $0xffff  }
0x17b: {  	v39 =	vld.idx.msk [tilespmem:v32+s16+$0x0], $0xffff;
	v1 =	vadd.f32 v3, v1;
	v3 =	vmul.f32 v31, v30  }
0x17c: {  	v41 =	vor.u32 $0x19, v2;
	v40 =	vld.idx.msk [tilespmem:v32+s17+$0x0], $0xffff  }
0x17d: {  	v42 =	vld.idx.msk [tilespmem:v35+s16+$0x0], $0xffff;
	v1 =	vadd.f32 v3, v1;
	v3 =	vmul.f32 v34, v33  }
0x17e: {  	v44 =	vor.u32 $0x1A, v2;
	v43 =	vld.idx.msk [tilespmem:v35+s17+$0x0], $0xffff  }
0x17f: {  	v45 =	vld.idx.msk [tilespmem:v38+s16+$0x0], $0xffff;
	v1 =	vadd.f32 v3, v1;
	v3 =	vmul.f32 v37, v36  }
0x180: {  	v47 =	vor.u32 $0x1B, v2;
	v46 =	vld.idx.msk [tilespmem:v38+s17+$0x0], $0xffff  }
0x181: {  	v48 =	vld.idx.msk [tilespmem:v41+s16+$0x0], $0xffff;
	v1 =	vadd.f32 v3, v1;
	v3 =	vmul.f32 v40, v39  }
0x182: {  	v50 =	vor.u32 $0x1C, v2;
	v49 =	vld.idx.msk [tilespmem:v41+s17+$0x0], $0xffff  }
0x183: {  	v51 =	vld.idx.msk [tilespmem:v44+s16+$0x0], $0xffff;
	v1 =	vadd.f32 v3, v1;
	v3 =	vmul.f32 v43, v42  }
0x184: {  	v53 =	vor.u32 $0x1D, v2;
	v52 =	vld.idx.msk [tilespmem:v44+s17+$0x0], $0xffff  }
0x185: {  	v54 =	vld.idx.msk [tilespmem:v47+s16+$0x0], $0xffff;
	v1 =	vadd.f32 v3, v1;
	v3 =	vmul.f32 v46, v45  }
0x186: {  	v56 =	vor.u32 $0x1E, v2;
	v55 =	vld.idx.msk [tilespmem:v47+s17+$0x0], $0xffff  }
0x187: {  	v57 =	vld.idx.msk [tilespmem:v50+s16+$0x0], $0xffff;
	v1 =	vadd.f32 v3, v1;
	v3 =	vmul.f32 v49, v48  }
0x188: {  	v2 =	vor.u32 $0x1F, v2;
	v58 =	vld.idx.msk [tilespmem:v50+s17+$0x0], $0xffff  }
0x189: {  	v59 =	vld.idx.msk [tilespmem:v53+s16+$0x0], $0xffff;
	v1 =	vadd.f32 v3, v1;
	v3 =	vmul.f32 v52, v51  }
0x18a: {  	v60 =	vld.idx.msk [tilespmem:v53+s17+$0x0], $0xffff  }
0x18b: {  	v62 =	vld.idx.msk [tilespmem:v56+s17+$0x0], $0xffff;
	v1 =	vadd.f32 v3, v1;
	v3 =	vmul.f32 v55, v54  }
0x18c: {  	v61 =	vld.idx.msk [tilespmem:v56+s16+$0x0], $0xffff  }
0x18d: {  	v63 =	vld.idx.msk [tilespmem:v2+s16+$0x0], $0xffff;
	v1 =	vadd.f32 v3, v1;
	v3 =	vmul.f32 v58, v57  }
0x18e: {  	v2 =	vld.idx.msk [tilespmem:v2+s17+$0x0], $0xffff  }
0x18f: {  	v1 =	vadd.f32 v3, v1;
	v3 =	vmul.f32 v60, v59;
	_ =	sdelay $0x1  }
0x190: {  	v1 =	vadd.f32 v3, v1;
	v3 =	vmul.f32 v62, v61;
	_ =	sdelay $0x1  }
0x191: {  	v2 =	vmul.f32 v2, v63;
	v1 =	vadd.f32 v3, v1;
	_ =	sdelay $0x1  }
0x192: {  	s22 =	sadd.s32 $0x1, s22;
	v1 =	vadd.f32 v2, v1  }
0x193: {  	s29 =	sadd.s32 $0x10, s28;
	p0 =	sne.s32 s22, s11  }
.Ltmp1:
0x194: {  	[tilespmem:s29+$0x0] =	vst v1;
	(pc) =	sbr.rel @p0 .LBB2_1-.Ltmp1, $4  }
0x195: {  	[hbm4b:s10+s2] =	stream.linear.scatter [tilespmem:s21], [sflag:$0x2], $0x200, $0x38;
	[tilespmem:$0x8A10] =	vst v63  }
0x196: {  	_ =	swait.ge [sflag:s12], $0x200  }
0x197: {  	[sflag:s12] =	ssyncset.done $0x0  }
0x198: {  	[sflag:s12] =	ssyncadd.s32 $0xFFFFFE00  }
0x199: {  	_ =	sfence.sel $0x180000  }
0x19a: {  	[bflag:$0x0] =	sbarrier.arrive $0xFFFF  }
0x19b: {  	_ =	strace $0x90000047  }
0x19c: {  	s0 =	stileid.u32;
	[bflag:$0x2] =	sbarrier.arrive $0xFFFF  }
0x19d: {  	p0 =	sne.s32 s0, $0x0;
	s0 =	rddreg [dreg:$0x4]  }
0x19e: {  	s0 =	sadd.s32 @!p0 $0x100000, s0  }
0x19f: {  	[sflag:s0] =	ssyncadd.tile.s32 @!p0 $0x1;
	_ =	shalt  }
.Lfunc_end2:
_tile_overlayer_lowered:
.L_overlay_start_2:
0x1a0: {  	(tag) =	ssettag $0x2  }
0x1a1: {  	s0 =	rddreg [dreg:$0x0];
	s2 =	stileid.u32  }
0x1a2: {  	s1 =	rddreg [dreg:$0x1];
	p0 =	sne.s32 s2, $0x0  }
0x1a3: {  	s3 =	rddreg [dreg:$0x2];
	[bflag:$0x3] =	sbarrier.arrive $0xFFFF;
	s2 =	simm.s32 @!p0 $0x1C02  }
0x1a4: {  	[timem:s3], [sflag:s2] =	dma.local @!p0 [hbm:s0], s1  }
0x1a5: {  	s0 =	simm.s32 @!p0 $0x2  }
0x1a6: {  	_ =	swait.ge @!p0 [sflag:s0], s1  }
0x1a7: {  	s1 =	ssub.s32 @!p0 $0x0, s1;
	[sflag:s0] =	ssyncset.done @!p0 $0x0  }
0x1a8: {  	[sflag:s0] =	ssyncadd.s32 @!p0 s1  }
0x1a9: {  	[bflag:$0x3] =	sbarrier.arrive $0xFFFF  }
0x1aa: {  	_ =	shalt  }

</sc_bundles>
